<compile_context>
chip_gen: v7x
topology: tpu7x:2x2x1
jax: 0.10.2.dev20260603
libtpu: 0.0.44.dev20260713+nightly
codegen_flags: <defaults>
</compile_context>

<pallas_src>
import functools

import jax
import jax.numpy as jnp
from jax import lax
from jax.experimental import pallas as pl
from jax.experimental.pallas import tpu as pltpu
from jax.experimental.pallas import tpu_sc as plsc

PAD = 0
B, T, V = 8, 2048, 8192
L = 16
NC, NS = 2, 16
NW = NC * NS
P = B * T
CHUNK = P // NW
WPR = T // CHUNK
RB = 32
NR = CHUNK // RB

_mesh = plsc.VectorSubcoreMesh(core_axis_name="c", subcore_axis_name="s")


@functools.partial(
    pl.kernel,
    mesh=_mesh,
    out_type=[
        jax.ShapeDtypeStruct((NW, CHUNK), jnp.float32),
    ],
    scratch_types=[
        pltpu.VMEM((CHUNK + L,), jnp.int32),
        pltpu.VMEM((RB, 8, 128), jnp.float32),
        pltpu.VMEM((RB, 8, 128), jnp.float32),
        pltpu.VMEM((CHUNK,), jnp.float32),
        pltpu.SemaphoreType.DMA,
        pltpu.SemaphoreType.DMA,
    ],
    compiler_params=pltpu.CompilerParams(needs_layout_passes=False),
)
def _sc_gather(pred_ref, act_ref, vals_ref,
               act_c, tiles_a, tiles_b, out_buf, sem_a, sem_b):
    c = lax.axis_index("c")
    s = lax.axis_index("s")
    wid = c * NS + s
    row = wid // WPR
    col = wid % WPR
    t0 = col * CHUNK

    pltpu.sync_copy(act_ref.at[row, pl.ds(t0, CHUNK)], act_c.at[pl.ds(0, CHUNK)])

    iota = lax.iota(jnp.int32, L)

    def fire(p0, buf, sem):
        def _f(j, _):
            a = act_c[pl.ds(p0 + j, L)][0]
            v0 = pl.multiple_of((a >> 7) << 7, 128)
            ts = pl.multiple_of(t0 + p0 + (j & ~7), 8)
            pltpu.async_copy(
                pred_ref.at[row, pl.ds(ts, 8), pl.ds(v0, 128)],
                buf.at[j], sem)
            return _
        lax.fori_loop(0, RB, _f, None)

    def extract(p0, buf):
        for g in range(RB // L):
            a = act_c[pl.ds(p0 + g * L, L)]
            v = plsc.load_gather(buf, [g * L + iota, iota & 7, a & 127])
            out_buf[pl.ds(p0 + g * L, L)] = v

    def drain(buf, sem):
        def _w(j, _):
            pltpu.make_async_copy(
                pred_ref.at[row, pl.ds(0, 8), pl.ds(0, 128)],
                buf.at[j], sem).wait()
            return _
        lax.fori_loop(0, RB, _w, None)

    fire(0, tiles_a, sem_a)

    def body(i, _):
        r0 = 2 * i * RB
        fire(r0 + RB, tiles_b, sem_b)
        drain(tiles_a, sem_a)
        extract(r0, tiles_a)

        @pl.when(r0 + 2 * RB < CHUNK)
        def _():
            fire(r0 + 2 * RB, tiles_a, sem_a)
        drain(tiles_b, sem_b)
        extract(r0 + RB, tiles_b)
        return _
    lax.fori_loop(0, NR // 2, body, None)

    pltpu.sync_copy(out_buf, vals_ref.at[wid])


def _tc_reduce_body(vals_ref, act_ref, out_ref):
    act = act_ref[...]
    vals = vals_ref[...]
    iota_w = lax.broadcasted_iota(jnp.int32, (NW, CHUNK), 0)
    iota_j = lax.broadcasted_iota(jnp.int32, (NW, CHUNK), 1)
    t_mat = (iota_w % WPR) * CHUNK + iota_j
    cnt_w = jnp.sum((act != PAD).astype(jnp.int32), axis=1)
    r_ = lax.broadcasted_iota(jnp.int32, (NW, NW), 0)
    c_ = lax.broadcasted_iota(jnp.int32, (NW, NW), 1)
    same_row = (r_ // WPR) == (c_ // WPR)
    len_w = jnp.sum(jnp.where(same_row, cnt_w[None, :], 0), axis=1)
    mask = t_mat < len_w[:, None]
    total = jnp.sum(mask.astype(jnp.int32)).astype(jnp.float32)
    loss = -jnp.sum(jnp.where(mask, vals, jnp.zeros_like(vals))) / total
    out_ref[0, 0] = loss


_tc_reduce = pl.pallas_call(
    _tc_reduce_body,
    out_shape=jax.ShapeDtypeStruct((1, 1), jnp.float32),
    in_specs=[pl.BlockSpec(memory_space=pltpu.VMEM),
              pl.BlockSpec(memory_space=pltpu.VMEM)],
    out_specs=pl.BlockSpec(memory_space=pltpu.SMEM),
)


def kernel(pred_probs, actuals):
    [vals] = _sc_gather(pred_probs, actuals)
    act32 = actuals.reshape(NW, CHUNK)
    loss = _tc_reduce(vals, act32)
    return loss[0, 0]

# --- scband reference (transcript-rebuilt; emitter-appended) ---
"""Pipeline reference for scband-packed-loss-47828755808845 (READ-ONLY COPY).

The authoritative reference and input builder live on the scoring server;
editing this copy changes nothing except your own understanding.
"""

import jax, jax.numpy as jnp
import numpy as np

PAD_TOKEN = 0

B, T, V = 8, 2048, 8192

def setup_inputs(seed: int = 0):
    key = jax.random.key(seed)
    k1, k2 = jax.random.split(key)
    pred_probs = jax.random.normal(k1, (B, T, V), dtype=jnp.float32)
    actuals = jax.random.randint(k2, (B, T), 0, V, dtype=jnp.int32)
    return {"pred_probs": pred_probs, "actuals": actuals}

def reference(pred_probs, actuals):
    # lengths[b] = number of non-PAD tokens in row b
    lengths = jnp.sum(actuals != PAD_TOKEN, axis=-1)
    # pack_padded_sequence(batch_first=True) selects the FIRST lengths[b] positions
    # of each row (regardless of where pads actually sit), then flattens by timestep.
    # NLLLoss(mean) over the packed data == masked mean over those selected positions.
    t_idx = jnp.arange(pred_probs.shape[1])
    mask = t_idx[None, :] < lengths[:, None]  # [B, T] bool
    # gather the log-prob of the target class at every (b, t)
    nll = -jnp.take_along_axis(pred_probs, actuals[..., None], axis=-1)[..., 0]  # [B, T]
    total = jnp.sum(mask).astype(pred_probs.dtype)
    loss = jnp.sum(jnp.where(mask, nll, jnp.zeros_like(nll))) / total
    return loss

if __name__ == "__main__":
    import jax
    _d = setup_inputs()
    print(jax.jit(kernel)(*tuple(_d.values())))

</pallas_src>

<mosaic_0001>
#map = affine_map<(d0, d1) -> (0, 0, 0)>
#map1 = affine_map<(d0, d1) -> (0, 0)>
module attributes {stable_mosaic.version = 14 : i64} {
  func.func @_sc_gather(%arg0: i32, %arg1: i32, %arg2: memref<8x2048x8192xf32, #tpu.memory_space<hbm>>, %arg3: memref<8x2048xi32, #tpu.memory_space<hbm>>, %arg4: memref<32x512xf32, #tpu.memory_space<hbm>>, %arg5: memref<528xi32, #tpu.memory_space<vmem>>, %arg6: memref<32x8x128xf32, #tpu.memory_space<vmem>>, %arg7: memref<32x8x128xf32, #tpu.memory_space<vmem>>, %arg8: memref<512xf32, #tpu.memory_space<vmem>>, %arg9: memref<!tpu.dma_semaphore, #tpu.memory_space<semaphore_mem>>, %arg10: memref<!tpu.dma_semaphore, #tpu.memory_space<semaphore_mem>>) attributes {dimension_semantics = [#tpu.dimension_semantics<core_parallel>, #tpu.dimension_semantics<subcore_parallel>], iteration_bounds = array<i64: 2, 16>, scalar_prefetch = 0 : i64, scratch_operands = 6 : i64, tpu.core_type = #tpu.core_type<sc_vector_subcore>, window_params = [{transform_indices = #map}, {transform_indices = #map1}, {transform_indices = #map1}]} {
    %mul3A = arith.constant 16 : i32
    %mul3A_0 = arith.muli %arg0, %mul3A : i32
    %add3A = arith.addi %mul3A_0, %arg1 : i32
    %jit3A = arith.constant 4 : i32
    %div3A = arith.divsi %add3A, %jit3A : i32
    %sign3A = arith.constant 0 : i32
    %sign3A_1 = arith.cmpi sgt, %add3A, %sign3A : i32
    %sign3A_2 = arith.extui %sign3A_1 : i1 to i32
    %sign3A_3 = arith.constant 0 : i32
    %sign3A_4 = arith.cmpi slt, %add3A, %sign3A_3 : i32
    %sign3A_5 = arith.extui %sign3A_4 : i1 to i32
    %sign3A_6 = arith.subi %sign3A_2, %sign3A_5 : i32
    %sign3A_7 = arith.constant 0 : i32
    %sign3A_8 = arith.cmpi sgt, %jit3A, %sign3A_7 : i32
    %sign3A_9 = arith.extui %sign3A_8 : i1 to i32
    %sign3A_10 = arith.constant 0 : i32
    %sign3A_11 = arith.cmpi slt, %jit3A, %sign3A_10 : i32
    %sign3A_12 = arith.extui %sign3A_11 : i1 to i32
    %sign3A_13 = arith.subi %sign3A_9, %sign3A_12 : i32
    %ne3A = arith.cmpi ne, %sign3A_6, %sign3A_13 : i32
    %rem3A = arith.remsi %add3A, %jit3A : i32
    %ne3A_14 = arith.constant 0 : i32
    %ne3A_15 = arith.cmpi ne, %rem3A, %ne3A_14 : i32
    %and3A = arith.andi %ne3A, %ne3A_15 : i1
    %sub3A = arith.constant 1 : i32
    %sub3A_16 = arith.subi %div3A, %sub3A : i32
    %select_n3A = arith.select %and3A, %sub3A_16, %div3A : i32
    %jit3A_17 = arith.constant 4 : i32
    %eq3A = arith.constant 0 : i32
    %eq3A_18 = arith.cmpi eq, %jit3A_17, %eq3A : i32
    %jit3A_19 = arith.constant 1 : i32
    %select_n3A_20 = arith.select %eq3A_18, %jit3A_19, %jit3A_17 : i32
    %rem3A_21 = arith.remsi %add3A, %select_n3A_20 : i32
    %ne3A_22 = arith.constant 0 : i32
    %ne3A_23 = arith.cmpi ne, %rem3A_21, %ne3A_22 : i32
    %lt3A = arith.constant 0 : i32
    %lt3A_24 = arith.cmpi slt, %rem3A_21, %lt3A : i32
    %lt3A_25 = arith.constant 0 : i32
    %lt3A_26 = arith.cmpi slt, %select_n3A_20, %lt3A_25 : i32
    %ne3A_27 = arith.xori %lt3A_24, %lt3A_26 : i1
    %and3A_28 = arith.andi %ne3A_27, %ne3A_23 : i1
    %add3A_29 = arith.addi %rem3A_21, %select_n3A_20 : i32
    %select_n3A_30 = arith.select %and3A_28, %add3A_29, %rem3A_21 : i32
    %mul3A_31 = arith.constant 512 : i32
    %mul3A_32 = arith.muli %select_n3A_30, %mul3A_31 : i32
    "tpu.region"() ({
      %run_scoped3A = tpu.sem_alloc : memref<!tpu.dma_semaphore, #tpu.memory_space<semaphore_mem>>
      %dma_start3A = arith.constant 0 : i32
      %dma_start3A_42 = tpu.memref_slice %arg5[%dma_start3A] : memref<528xi32, #tpu.memory_space<vmem>> -> memref<512xi32, #tpu.memory_space<vmem>>
      %dma_start3A_43 = tpu.memref_slice %arg3[%select_n3A, %mul3A_32] : memref<8x2048xi32, #tpu.memory_space<hbm>> -> memref<1x512xi32, #tpu.memory_space<hbm>>
      %dma_start3A_44 = tpu.memref_squeeze %dma_start3A_43 : memref<1x512xi32, #tpu.memory_space<hbm>> -> memref<512xi32, #tpu.memory_space<hbm>>
      %dma_start3A_45 = arith.constant 0 : i32
      %dma_start3A_46 = tpu.memref_slice %arg5[%dma_start3A_45] : memref<528xi32, #tpu.memory_space<vmem>> -> memref<512xi32, #tpu.memory_space<vmem>>
      %dma_start3A_47 = tpu.memref_slice %arg3[%select_n3A, %mul3A_32] : memref<8x2048xi32, #tpu.memory_space<hbm>> -> memref<1x512xi32, #tpu.memory_space<hbm>>
      %dma_start3A_48 = tpu.memref_squeeze %dma_start3A_47 : memref<1x512xi32, #tpu.memory_space<hbm>> -> memref<512xi32, #tpu.memory_space<hbm>>
      tpu.enqueue_dma source(%dma_start3A_48 : memref<512xi32, #tpu.memory_space<hbm>>) target(%dma_start3A_46 : memref<512xi32, #tpu.memory_space<vmem>>) target_semaphore(%run_scoped3A : memref<!tpu.dma_semaphore, #tpu.memory_space<semaphore_mem>>)
      %dma_wait3A = arith.constant 0 : i32
      %dma_wait3A_49 = tpu.memref_slice %arg5[%dma_wait3A] : memref<528xi32, #tpu.memory_space<vmem>> -> memref<512xi32, #tpu.memory_space<vmem>>
      %dma_wait3A_50 = tpu.memref_slice %arg3[%select_n3A, %mul3A_32] : memref<8x2048xi32, #tpu.memory_space<hbm>> -> memref<1x512xi32, #tpu.memory_space<hbm>>
      %dma_wait3A_51 = tpu.memref_squeeze %dma_wait3A_50 : memref<1x512xi32, #tpu.memory_space<hbm>> -> memref<512xi32, #tpu.memory_space<hbm>>
      %dma_wait3A_52 = arith.constant 0 : i32
      %dma_wait3A_53 = tpu.memref_slice %arg5[%dma_wait3A_52] : memref<528xi32, #tpu.memory_space<vmem>> -> memref<512xi32, #tpu.memory_space<vmem>>
      %dma_wait3A_54 = tpu.memref_slice %arg3[%select_n3A, %mul3A_32] : memref<8x2048xi32, #tpu.memory_space<hbm>> -> memref<1x512xi32, #tpu.memory_space<hbm>>
      %dma_wait3A_55 = tpu.memref_squeeze %dma_wait3A_54 : memref<1x512xi32, #tpu.memory_space<hbm>> -> memref<512xi32, #tpu.memory_space<hbm>>
      tpu.wait_dma2 semaphore(%run_scoped3A : memref<!tpu.dma_semaphore, #tpu.memory_space<semaphore_mem>>) src(%dma_wait3A_55 : memref<512xi32, #tpu.memory_space<hbm>>) dst(%dma_wait3A_53 : memref<512xi32, #tpu.memory_space<vmem>>)
      tpu.yield
    }) : () -> ()
    %iota3A = tpu.iota {dimensions = array<i32: 0>} : vector<16xi32>
    %scan3A = arith.constant 0 : i32
    %scan3A_33 = arith.constant 32 : i32
    %scan3A_34 = arith.addi %scan3A, %scan3A_33 : i32
    %scan3A_35 = arith.constant 1 : i32
    scf.for %scan3A_42 = %scan3A to %scan3A_34 step %scan3A_35  : i32 {
      %add3A_43 = arith.constant 0 : i32
      %add3A_44 = arith.addi %add3A_43, %scan3A_42 : i32
      %get3A = arith.index_cast %add3A_44 : i32 to index
      %get3A_45 = tpu.vector_load %arg5[%get3A] {strides = array<i32>} : memref<528xi32, #tpu.memory_space<vmem>>, vector<16xi32>,
      %slice3A = vector.extract_strided_slice %get3A_45 {offsets = [0], sizes = [1], strides = [1]} : vector<16xi32> to vector<1xi32>
      %squeeze3A = vector.extract %slice3A[0] : i32 from vector<1xi32>
      %shift_right_arithmetic3A = arith.constant 7 : i32
      %shift_right_arithmetic3A_46 = arith.shrsi %squeeze3A, %shift_right_arithmetic3A : i32
      %shift_left3A = arith.constant 7 : i32
      %shift_left3A_47 = arith.shli %shift_right_arithmetic3A_46, %shift_left3A : i32
      %multiple_of3A = tpu.assume_multiple %shift_left3A_47, 128 : i32
      %add3A_48 = arith.constant 0 : i32
      %add3A_49 = arith.addi %mul3A_32, %add3A_48 : i32
      %and3A_50 = arith.constant -8 : i32
      %and3A_51 = arith.andi %scan3A_42, %and3A_50 : i32
      %add3A_52 = arith.addi %add3A_49, %and3A_51 : i32
      %multiple_of3A_53 = tpu.assume_multiple %add3A_52, 8 : i32
      %dma_start3A = arith.constant 0 : i32
      %dma_start3A_54 = arith.constant 0 : i32
      %dma_start3A_55 = tpu.memref_slice %arg6[%scan3A_42, %dma_start3A, %dma_start3A_54] : memref<32x8x128xf32, #tpu.memory_space<vmem>> -> memref<1x8x128xf32, #tpu.memory_space<vmem>>
      %dma_start3A_56 = tpu.memref_squeeze %dma_start3A_55 : memref<1x8x128xf32, #tpu.memory_space<vmem>> -> memref<8x128xf32, #tpu.memory_space<vmem>>
      %dma_start3A_57 = tpu.memref_slice %arg2[%select_n3A, %multiple_of3A_53, %multiple_of3A] : memref<8x2048x8192xf32, #tpu.memory_space<hbm>> -> memref<1x8x128xf32, #tpu.memory_space<hbm>>
      %dma_start3A_58 = tpu.memref_squeeze %dma_start3A_57 : memref<1x8x128xf32, #tpu.memory_space<hbm>> -> memref<8x128xf32, #tpu.memory_space<hbm>>
      %dma_start3A_59 = arith.constant 0 : i32
      %dma_start3A_60 = arith.constant 0 : i32
      %dma_start3A_61 = tpu.memref_slice %arg6[%scan3A_42, %dma_start3A_59, %dma_start3A_60] : memref<32x8x128xf32, #tpu.memory_space<vmem>> -> memref<1x8x128xf32, #tpu.memory_space<vmem>>
      %dma_start3A_62 = tpu.memref_squeeze %dma_start3A_61 : memref<1x8x128xf32, #tpu.memory_space<vmem>> -> memref<8x128xf32, #tpu.memory_space<vmem>>
      %dma_start3A_63 = tpu.memref_slice %arg2[%select_n3A, %multiple_of3A_53, %multiple_of3A] : memref<8x2048x8192xf32, #tpu.memory_space<hbm>> -> memref<1x8x128xf32, #tpu.memory_space<hbm>>
      %dma_start3A_64 = tpu.memref_squeeze %dma_start3A_63 : memref<1x8x128xf32, #tpu.memory_space<hbm>> -> memref<8x128xf32, #tpu.memory_space<hbm>>
      tpu.enqueue_dma source(%dma_start3A_64 : memref<8x128xf32, #tpu.memory_space<hbm>>) target(%dma_start3A_62 : memref<8x128xf32, #tpu.memory_space<vmem>>) target_semaphore(%arg9 : memref<!tpu.dma_semaphore, #tpu.memory_space<semaphore_mem>>)
    }
    %scan3A_36 = arith.constant 32 : i32
    %scan3A_37 = arith.constant 0 : i32
    %scan3A_38 = arith.constant 8 : i32
    %scan3A_39 = arith.addi %scan3A_37, %scan3A_38 : i32
    %scan3A_40 = arith.constant 1 : i32
    scf.for %scan3A_42 = %scan3A_37 to %scan3A_39 step %scan3A_40  : i32 {
      %mul3A_43 = arith.constant 2 : i32
      %mul3A_44 = arith.muli %mul3A_43, %scan3A_42 : i32
      %mul3A_45 = arith.constant 32 : i32
      %mul3A_46 = arith.muli %mul3A_44, %mul3A_45 : i32
      %add3A_47 = arith.constant 32 : i32
      %add3A_48 = arith.addi %mul3A_46, %add3A_47 : i32
      %scan3A_49 = arith.constant 0 : i32
      %scan3A_50 = arith.constant 32 : i32
      %scan3A_51 = arith.addi %scan3A_49, %scan3A_50 : i32
      %scan3A_52 = arith.constant 1 : i32
      scf.for %scan3A_140 = %scan3A_49 to %scan3A_51 step %scan3A_52  : i32 {
        %add3A_141 = arith.addi %add3A_48, %scan3A_140 : i32
        %get3A_142 = arith.index_cast %add3A_141 : i32 to index
        %get3A_143 = tpu.vector_load %arg5[%get3A_142] {strides = array<i32>} : memref<528xi32, #tpu.memory_space<vmem>>, vector<16xi32>,
        %slice3A = vector.extract_strided_slice %get3A_143 {offsets = [0], sizes = [1], strides = [1]} : vector<16xi32> to vector<1xi32>
        %squeeze3A = vector.extract %slice3A[0] : i32 from vector<1xi32>
        %shift_right_arithmetic3A = arith.constant 7 : i32
        %shift_right_arithmetic3A_144 = arith.shrsi %squeeze3A, %shift_right_arithmetic3A : i32
        %shift_left3A = arith.constant 7 : i32
        %shift_left3A_145 = arith.shli %shift_right_arithmetic3A_144, %shift_left3A : i32
        %multiple_of3A = tpu.assume_multiple %shift_left3A_145, 128 : i32
        %add3A_146 = arith.addi %mul3A_32, %add3A_48 : i32
        %and3A_147 = arith.constant -8 : i32
        %and3A_148 = arith.andi %scan3A_140, %and3A_147 : i32
        %add3A_149 = arith.addi %add3A_146, %and3A_148 : i32
        %multiple_of3A_150 = tpu.assume_multiple %add3A_149, 8 : i32
        %dma_start3A = arith.constant 0 : i32
        %dma_start3A_151 = arith.constant 0 : i32
        %dma_start3A_152 = tpu.memref_slice %arg7[%scan3A_140, %dma_start3A, %dma_start3A_151] : memref<32x8x128xf32, #tpu.memory_space<vmem>> -> memref<1x8x128xf32, #tpu.memory_space<vmem>>
        %dma_start3A_153 = tpu.memref_squeeze %dma_start3A_152 : memref<1x8x128xf32, #tpu.memory_space<vmem>> -> memref<8x128xf32, #tpu.memory_space<vmem>>
        %dma_start3A_154 = tpu.memref_slice %arg2[%select_n3A, %multiple_of3A_150, %multiple_of3A] : memref<8x2048x8192xf32, #tpu.memory_space<hbm>> -> memref<1x8x128xf32, #tpu.memory_space<hbm>>
        %dma_start3A_155 = tpu.memref_squeeze %dma_start3A_154 : memref<1x8x128xf32, #tpu.memory_space<hbm>> -> memref<8x128xf32, #tpu.memory_space<hbm>>
        %dma_start3A_156 = arith.constant 0 : i32
        %dma_start3A_157 = arith.constant 0 : i32
        %dma_start3A_158 = tpu.memref_slice %arg7[%scan3A_140, %dma_start3A_156, %dma_start3A_157] : memref<32x8x128xf32, #tpu.memory_space<vmem>> -> memref<1x8x128xf32, #tpu.memory_space<vmem>>
        %dma_start3A_159 = tpu.memref_squeeze %dma_start3A_158 : memref<1x8x128xf32, #tpu.memory_space<vmem>> -> memref<8x128xf32, #tpu.memory_space<vmem>>
        %dma_start3A_160 = tpu.memref_slice %arg2[%select_n3A, %multiple_of3A_150, %multiple_of3A] : memref<8x2048x8192xf32, #tpu.memory_space<hbm>> -> memref<1x8x128xf32, #tpu.memory_space<hbm>>
        %dma_start3A_161 = tpu.memref_squeeze %dma_start3A_160 : memref<1x8x128xf32, #tpu.memory_space<hbm>> -> memref<8x128xf32, #tpu.memory_space<hbm>>
        tpu.enqueue_dma source(%dma_start3A_161 : memref<8x128xf32, #tpu.memory_space<hbm>>) target(%dma_start3A_159 : memref<8x128xf32, #tpu.memory_space<vmem>>) target_semaphore(%arg10 : memref<!tpu.dma_semaphore, #tpu.memory_space<semaphore_mem>>)
      }
      %scan3A_53 = arith.constant 32 : i32
      %scan3A_54 = arith.constant 0 : i32
      %scan3A_55 = arith.constant 32 : i32
      %scan3A_56 = arith.addi %scan3A_54, %scan3A_55 : i32
      %scan3A_57 = arith.constant 1 : i32
      scf.for %scan3A_140 = %scan3A_54 to %scan3A_56 step %scan3A_57  : i32 {
        %dma_wait3A = arith.constant 0 : i32
        %dma_wait3A_141 = arith.constant 0 : i32
        %dma_wait3A_142 = tpu.memref_slice %arg6[%scan3A_140, %dma_wait3A, %dma_wait3A_141] : memref<32x8x128xf32, #tpu.memory_space<vmem>> -> memref<1x8x128xf32, #tpu.memory_space<vmem>>
        %dma_wait3A_143 = tpu.memref_squeeze %dma_wait3A_142 : memref<1x8x128xf32, #tpu.memory_space<vmem>> -> memref<8x128xf32, #tpu.memory_space<vmem>>
        %dma_wait3A_144 = arith.constant 0 : i32
        %dma_wait3A_145 = arith.constant 0 : i32
        %dma_wait3A_146 = tpu.memref_slice %arg2[%select_n3A, %dma_wait3A_144, %dma_wait3A_145] : memref<8x2048x8192xf32, #tpu.memory_space<hbm>> -> memref<1x8x128xf32, #tpu.memory_space<hbm>>
        %dma_wait3A_147 = tpu.memref_squeeze %dma_wait3A_146 : memref<1x8x128xf32, #tpu.memory_space<hbm>> -> memref<8x128xf32, #tpu.memory_space<hbm>>
        %dma_wait3A_148 = arith.constant 0 : i32
        %dma_wait3A_149 = arith.constant 0 : i32
        %dma_wait3A_150 = tpu.memref_slice %arg6[%scan3A_140, %dma_wait3A_148, %dma_wait3A_149] : memref<32x8x128xf32, #tpu.memory_space<vmem>> -> memref<1x8x128xf32, #tpu.memory_space<vmem>>
        %dma_wait3A_151 = tpu.memref_squeeze %dma_wait3A_150 : memref<1x8x128xf32, #tpu.memory_space<vmem>> -> memref<8x128xf32, #tpu.memory_space<vmem>>
        %dma_wait3A_152 = arith.constant 0 : i32
        %dma_wait3A_153 = arith.constant 0 : i32
        %dma_wait3A_154 = tpu.memref_slice %arg2[%select_n3A, %dma_wait3A_152, %dma_wait3A_153] : memref<8x2048x8192xf32, #tpu.memory_space<hbm>> -> memref<1x8x128xf32, #tpu.memory_space<hbm>>
        %dma_wait3A_155 = tpu.memref_squeeze %dma_wait3A_154 : memref<1x8x128xf32, #tpu.memory_space<hbm>> -> memref<8x128xf32, #tpu.memory_space<hbm>>
        tpu.wait_dma2 semaphore(%arg9 : memref<!tpu.dma_semaphore, #tpu.memory_space<semaphore_mem>>) src(%dma_wait3A_155 : memref<8x128xf32, #tpu.memory_space<hbm>>) dst(%dma_wait3A_151 : memref<8x128xf32, #tpu.memory_space<vmem>>)
      }
      %scan3A_58 = arith.constant 32 : i32
      %add3A_59 = arith.constant 0 : i32
      %add3A_60 = arith.addi %mul3A_46, %add3A_59 : i32
      %get3A = arith.index_cast %add3A_60 : i32 to index
      %get3A_61 = tpu.vector_load %arg5[%get3A] {strides = array<i32>} : memref<528xi32, #tpu.memory_space<vmem>>, vector<16xi32>,
      %add3A_62 = arith.constant 0 : i32
      %add3A_63 = vector.broadcast %add3A_62 : i32 to vector<16xi32>
      %add3A_64 = arith.addi %add3A_63, %iota3A : vector<16xi32>
      %and3A_65 = arith.constant 7 : i32
      %and3A_66 = vector.broadcast %and3A_65 : i32 to vector<16xi32>
      %and3A_67 = arith.andi %iota3A, %and3A_66 : vector<16xi32>
      %and3A_68 = arith.constant 127 : i32
      %and3A_69 = vector.broadcast %and3A_68 : i32 to vector<16xi32>
      %and3A_70 = arith.andi %get3A_61, %and3A_69 : vector<16xi32>
      %gather3A = tpu.vector_load_idx %arg6[%add3A_64, %and3A_67, %and3A_70] : memref<32x8x128xf32, #tpu.memory_space<vmem>>[vector<16xi32>, vector<16xi32>, vector<16xi32>], vector<16xf32>,
      %add3A_71 = arith.constant 0 : i32
      %add3A_72 = arith.addi %mul3A_46, %add3A_71 : i32
      %swap3A = arith.index_cast %add3A_72 : i32 to index
      %swap3A_73 = tpu.vector_load %arg8[%swap3A] {strides = array<i32>} : memref<512xf32, #tpu.memory_space<vmem>>, vector<16xf32>,
      tpu.vector_store %arg8[%swap3A], %gather3A {strides = array<i32>} : memref<512xf32, #tpu.memory_space<vmem>>, vector<16xf32>,
      %add3A_74 = arith.constant 16 : i32
      %add3A_75 = arith.addi %mul3A_46, %add3A_74 : i32
      %get3A_76 = arith.index_cast %add3A_75 : i32 to index
      %get3A_77 = tpu.vector_load %arg5[%get3A_76] {strides = array<i32>} : memref<528xi32, #tpu.memory_space<vmem>>, vector<16xi32>,
      %add3A_78 = arith.constant 16 : i32
      %add3A_79 = vector.broadcast %add3A_78 : i32 to vector<16xi32>
      %add3A_80 = arith.addi %add3A_79, %iota3A : vector<16xi32>
      %and3A_81 = arith.constant 7 : i32
      %and3A_82 = vector.broadcast %and3A_81 : i32 to vector<16xi32>
      %and3A_83 = arith.andi %iota3A, %and3A_82 : vector<16xi32>
      %and3A_84 = arith.constant 127 : i32
      %and3A_85 = vector.broadcast %and3A_84 : i32 to vector<16xi32>
      %and3A_86 = arith.andi %get3A_77, %and3A_85 : vector<16xi32>
      %gather3A_87 = tpu.vector_load_idx %arg6[%add3A_80, %and3A_83, %and3A_86] : memref<32x8x128xf32, #tpu.memory_space<vmem>>[vector<16xi32>, vector<16xi32>, vector<16xi32>], vector<16xf32>,
      %add3A_88 = arith.constant 16 : i32
      %add3A_89 = arith.addi %mul3A_46, %add3A_88 : i32
      %swap3A_90 = arith.index_cast %add3A_89 : i32 to index
      %swap3A_91 = tpu.vector_load %arg8[%swap3A_90] {strides = array<i32>} : memref<512xf32, #tpu.memory_space<vmem>>, vector<16xf32>,
      tpu.vector_store %arg8[%swap3A_90], %gather3A_87 {strides = array<i32>} : memref<512xf32, #tpu.memory_space<vmem>>, vector<16xf32>,
      %add3A_92 = arith.constant 64 : i32
      %add3A_93 = arith.addi %mul3A_46, %add3A_92 : i32
      %lt3A_94 = arith.constant 512 : i32
      %lt3A_95 = arith.cmpi slt, %add3A_93, %lt3A_94 : i32
      %convert_element_type3A = arith.extui %lt3A_95 : i1 to i32
      %cond3A = arith.constant 0 : i32
      %cond3A_96 = arith.cmpi ne, %convert_element_type3A, %cond3A : i32
      scf.if %cond3A_96 {
        %add3A_140 = arith.constant 64 : i32
        %add3A_141 = arith.addi %mul3A_46, %add3A_140 : i32
        %scan3A_142 = arith.constant 0 : i32
        %scan3A_143 = arith.constant 32 : i32
        %scan3A_144 = arith.addi %scan3A_142, %scan3A_143 : i32
        %scan3A_145 = arith.constant 1 : i32
        scf.for %scan3A_147 = %scan3A_142 to %scan3A_144 step %scan3A_145  : i32 {
          %add3A_148 = arith.addi %add3A_141, %scan3A_147 : i32
          %get3A_149 = arith.index_cast %add3A_148 : i32 to index
          %get3A_150 = tpu.vector_load %arg5[%get3A_149] {strides = array<i32>} : memref<528xi32, #tpu.memory_space<vmem>>, vector<16xi32>,
          %slice3A = vector.extract_strided_slice %get3A_150 {offsets = [0], sizes = [1], strides = [1]} : vector<16xi32> to vector<1xi32>
          %squeeze3A = vector.extract %slice3A[0] : i32 from vector<1xi32>
          %shift_right_arithmetic3A = arith.constant 7 : i32
          %shift_right_arithmetic3A_151 = arith.shrsi %squeeze3A, %shift_right_arithmetic3A : i32
          %shift_left3A = arith.constant 7 : i32
          %shift_left3A_152 = arith.shli %shift_right_arithmetic3A_151, %shift_left3A : i32
          %multiple_of3A = tpu.assume_multiple %shift_left3A_152, 128 : i32
          %add3A_153 = arith.addi %mul3A_32, %add3A_141 : i32
          %and3A_154 = arith.constant -8 : i32
          %and3A_155 = arith.andi %scan3A_147, %and3A_154 : i32
          %add3A_156 = arith.addi %add3A_153, %and3A_155 : i32
          %multiple_of3A_157 = tpu.assume_multiple %add3A_156, 8 : i32
          %dma_start3A = arith.constant 0 : i32
          %dma_start3A_158 = arith.constant 0 : i32
          %dma_start3A_159 = tpu.memref_slice %arg6[%scan3A_147, %dma_start3A, %dma_start3A_158] : memref<32x8x128xf32, #tpu.memory_space<vmem>> -> memref<1x8x128xf32, #tpu.memory_space<vmem>>
          %dma_start3A_160 = tpu.memref_squeeze %dma_start3A_159 : memref<1x8x128xf32, #tpu.memory_space<vmem>> -> memref<8x128xf32, #tpu.memory_space<vmem>>
          %dma_start3A_161 = tpu.memref_slice %arg2[%select_n3A, %multiple_of3A_157, %multiple_of3A] : memref<8x2048x8192xf32, #tpu.memory_space<hbm>> -> memref<1x8x128xf32, #tpu.memory_space<hbm>>
          %dma_start3A_162 = tpu.memref_squeeze %dma_start3A_161 : memref<1x8x128xf32, #tpu.memory_space<hbm>> -> memref<8x128xf32, #tpu.memory_space<hbm>>
          %dma_start3A_163 = arith.constant 0 : i32
          %dma_start3A_164 = arith.constant 0 : i32
          %dma_start3A_165 = tpu.memref_slice %arg6[%scan3A_147, %dma_start3A_163, %dma_start3A_164] : memref<32x8x128xf32, #tpu.memory_space<vmem>> -> memref<1x8x128xf32, #tpu.memory_space<vmem>>
          %dma_start3A_166 = tpu.memref_squeeze %dma_start3A_165 : memref<1x8x128xf32, #tpu.memory_space<vmem>> -> memref<8x128xf32, #tpu.memory_space<vmem>>
          %dma_start3A_167 = tpu.memref_slice %arg2[%select_n3A, %multiple_of3A_157, %multiple_of3A] : memref<8x2048x8192xf32, #tpu.memory_space<hbm>> -> memref<1x8x128xf32, #tpu.memory_space<hbm>>
          %dma_start3A_168 = tpu.memref_squeeze %dma_start3A_167 : memref<1x8x128xf32, #tpu.memory_space<hbm>> -> memref<8x128xf32, #tpu.memory_space<hbm>>
          tpu.enqueue_dma source(%dma_start3A_168 : memref<8x128xf32, #tpu.memory_space<hbm>>) target(%dma_start3A_166 : memref<8x128xf32, #tpu.memory_space<vmem>>) target_semaphore(%arg9 : memref<!tpu.dma_semaphore, #tpu.memory_space<semaphore_mem>>)
        }
        %scan3A_146 = arith.constant 32 : i32
      } else {
      }
      %scan3A_97 = arith.constant 0 : i32
      %scan3A_98 = arith.constant 32 : i32
      %scan3A_99 = arith.addi %scan3A_97, %scan3A_98 : i32
      %scan3A_100 = arith.constant 1 : i32
      scf.for %scan3A_140 = %scan3A_97 to %scan3A_99 step %scan3A_100  : i32 {
        %dma_wait3A = arith.constant 0 : i32
        %dma_wait3A_141 = arith.constant 0 : i32
        %dma_wait3A_142 = tpu.memref_slice %arg7[%scan3A_140, %dma_wait3A, %dma_wait3A_141] : memref<32x8x128xf32, #tpu.memory_space<vmem>> -> memref<1x8x128xf32, #tpu.memory_space<vmem>>
        %dma_wait3A_143 = tpu.memref_squeeze %dma_wait3A_142 : memref<1x8x128xf32, #tpu.memory_space<vmem>> -> memref<8x128xf32, #tpu.memory_space<vmem>>
        %dma_wait3A_144 = arith.constant 0 : i32
        %dma_wait3A_145 = arith.constant 0 : i32
        %dma_wait3A_146 = tpu.memref_slice %arg2[%select_n3A, %dma_wait3A_144, %dma_wait3A_145] : memref<8x2048x8192xf32, #tpu.memory_space<hbm>> -> memref<1x8x128xf32, #tpu.memory_space<hbm>>
        %dma_wait3A_147 = tpu.memref_squeeze %dma_wait3A_146 : memref<1x8x128xf32, #tpu.memory_space<hbm>> -> memref<8x128xf32, #tpu.memory_space<hbm>>
        %dma_wait3A_148 = arith.constant 0 : i32
        %dma_wait3A_149 = arith.constant 0 : i32
        %dma_wait3A_150 = tpu.memref_slice %arg7[%scan3A_140, %dma_wait3A_148, %dma_wait3A_149] : memref<32x8x128xf32, #tpu.memory_space<vmem>> -> memref<1x8x128xf32, #tpu.memory_space<vmem>>
        %dma_wait3A_151 = tpu.memref_squeeze %dma_wait3A_150 : memref<1x8x128xf32, #tpu.memory_space<vmem>> -> memref<8x128xf32, #tpu.memory_space<vmem>>
        %dma_wait3A_152 = arith.constant 0 : i32
        %dma_wait3A_153 = arith.constant 0 : i32
        %dma_wait3A_154 = tpu.memref_slice %arg2[%select_n3A, %dma_wait3A_152, %dma_wait3A_153] : memref<8x2048x8192xf32, #tpu.memory_space<hbm>> -> memref<1x8x128xf32, #tpu.memory_space<hbm>>
        %dma_wait3A_155 = tpu.memref_squeeze %dma_wait3A_154 : memref<1x8x128xf32, #tpu.memory_space<hbm>> -> memref<8x128xf32, #tpu.memory_space<hbm>>
        tpu.wait_dma2 semaphore(%arg10 : memref<!tpu.dma_semaphore, #tpu.memory_space<semaphore_mem>>) src(%dma_wait3A_155 : memref<8x128xf32, #tpu.memory_space<hbm>>) dst(%dma_wait3A_151 : memref<8x128xf32, #tpu.memory_space<vmem>>)
      }
      %scan3A_101 = arith.constant 32 : i32
      %add3A_102 = arith.constant 32 : i32
      %add3A_103 = arith.addi %mul3A_46, %add3A_102 : i32
      %add3A_104 = arith.constant 0 : i32
      %add3A_105 = arith.addi %add3A_103, %add3A_104 : i32
      %get3A_106 = arith.index_cast %add3A_105 : i32 to index
      %get3A_107 = tpu.vector_load %arg5[%get3A_106] {strides = array<i32>} : memref<528xi32, #tpu.memory_space<vmem>>, vector<16xi32>,
      %add3A_108 = arith.constant 0 : i32
      %add3A_109 = vector.broadcast %add3A_108 : i32 to vector<16xi32>
      %add3A_110 = arith.addi %add3A_109, %iota3A : vector<16xi32>
      %and3A_111 = arith.constant 7 : i32
      %and3A_112 = vector.broadcast %and3A_111 : i32 to vector<16xi32>
      %and3A_113 = arith.andi %iota3A, %and3A_112 : vector<16xi32>
      %and3A_114 = arith.constant 127 : i32
      %and3A_115 = vector.broadcast %and3A_114 : i32 to vector<16xi32>
      %and3A_116 = arith.andi %get3A_107, %and3A_115 : vector<16xi32>
      %gather3A_117 = tpu.vector_load_idx %arg7[%add3A_110, %and3A_113, %and3A_116] : memref<32x8x128xf32, #tpu.memory_space<vmem>>[vector<16xi32>, vector<16xi32>, vector<16xi32>], vector<16xf32>,
      %add3A_118 = arith.constant 0 : i32
      %add3A_119 = arith.addi %add3A_103, %add3A_118 : i32
      %swap3A_120 = arith.index_cast %add3A_119 : i32 to index
      %swap3A_121 = tpu.vector_load %arg8[%swap3A_120] {strides = array<i32>} : memref<512xf32, #tpu.memory_space<vmem>>, vector<16xf32>,
      tpu.vector_store %arg8[%swap3A_120], %gather3A_117 {strides = array<i32>} : memref<512xf32, #tpu.memory_space<vmem>>, vector<16xf32>,
      %add3A_122 = arith.constant 16 : i32
      %add3A_123 = arith.addi %add3A_103, %add3A_122 : i32
      %get3A_124 = arith.index_cast %add3A_123 : i32 to index
      %get3A_125 = tpu.vector_load %arg5[%get3A_124] {strides = array<i32>} : memref<528xi32, #tpu.memory_space<vmem>>, vector<16xi32>,
      %add3A_126 = arith.constant 16 : i32
      %add3A_127 = vector.broadcast %add3A_126 : i32 to vector<16xi32>
      %add3A_128 = arith.addi %add3A_127, %iota3A : vector<16xi32>
      %and3A_129 = arith.constant 7 : i32
      %and3A_130 = vector.broadcast %and3A_129 : i32 to vector<16xi32>
      %and3A_131 = arith.andi %iota3A, %and3A_130 : vector<16xi32>
      %and3A_132 = arith.constant 127 : i32
      %and3A_133 = vector.broadcast %and3A_132 : i32 to vector<16xi32>
      %and3A_134 = arith.andi %get3A_125, %and3A_133 : vector<16xi32>
      %gather3A_135 = tpu.vector_load_idx %arg7[%add3A_128, %and3A_131, %and3A_134] : memref<32x8x128xf32, #tpu.memory_space<vmem>>[vector<16xi32>, vector<16xi32>, vector<16xi32>], vector<16xf32>,
      %add3A_136 = arith.constant 16 : i32
      %add3A_137 = arith.addi %add3A_103, %add3A_136 : i32
      %swap3A_138 = arith.index_cast %add3A_137 : i32 to index
      %swap3A_139 = tpu.vector_load %arg8[%swap3A_138] {strides = array<i32>} : memref<512xf32, #tpu.memory_space<vmem>>, vector<16xf32>,
      tpu.vector_store %arg8[%swap3A_138], %gather3A_135 {strides = array<i32>} : memref<512xf32, #tpu.memory_space<vmem>>, vector<16xf32>,
    }
    %scan3A_41 = arith.constant 8 : i32
    "tpu.region"() ({
      %run_scoped3A = tpu.sem_alloc : memref<!tpu.dma_semaphore, #tpu.memory_space<semaphore_mem>>
      %dma_start3A = arith.constant 0 : i32
      %dma_start3A_42 = tpu.memref_slice %arg4[%add3A, %dma_start3A] : memref<32x512xf32, #tpu.memory_space<hbm>> -> memref<1x512xf32, #tpu.memory_space<hbm>>
      %dma_start3A_43 = tpu.memref_squeeze %dma_start3A_42 : memref<1x512xf32, #tpu.memory_space<hbm>> -> memref<512xf32, #tpu.memory_space<hbm>>
      %dma_start3A_44 = arith.constant 0 : i32
      %dma_start3A_45 = tpu.memref_slice %arg4[%add3A, %dma_start3A_44] : memref<32x512xf32, #tpu.memory_space<hbm>> -> memref<1x512xf32, #tpu.memory_space<hbm>>
      %dma_start3A_46 = tpu.memref_squeeze %dma_start3A_45 : memref<1x512xf32, #tpu.memory_space<hbm>> -> memref<512xf32, #tpu.memory_space<hbm>>
      tpu.enqueue_dma source(%arg8 : memref<512xf32, #tpu.memory_space<vmem>>) target(%dma_start3A_46 : memref<512xf32, #tpu.memory_space<hbm>>) target_semaphore(%run_scoped3A : memref<!tpu.dma_semaphore, #tpu.memory_space<semaphore_mem>>)
      %dma_wait3A = arith.constant 0 : i32
      %dma_wait3A_47 = tpu.memref_slice %arg4[%add3A, %dma_wait3A] : memref<32x512xf32, #tpu.memory_space<hbm>> -> memref<1x512xf32, #tpu.memory_space<hbm>>
      %dma_wait3A_48 = tpu.memref_squeeze %dma_wait3A_47 : memref<1x512xf32, #tpu.memory_space<hbm>> -> memref<512xf32, #tpu.memory_space<hbm>>
      %dma_wait3A_49 = arith.constant 0 : i32
      %dma_wait3A_50 = tpu.memref_slice %arg4[%add3A, %dma_wait3A_49] : memref<32x512xf32, #tpu.memory_space<hbm>> -> memref<1x512xf32, #tpu.memory_space<hbm>>
      %dma_wait3A_51 = tpu.memref_squeeze %dma_wait3A_50 : memref<1x512xf32, #tpu.memory_space<hbm>> -> memref<512xf32, #tpu.memory_space<hbm>>
      tpu.wait_dma2 semaphore(%run_scoped3A : memref<!tpu.dma_semaphore, #tpu.memory_space<semaphore_mem>>) src(%arg8 : memref<512xf32, #tpu.memory_space<vmem>>) dst(%dma_wait3A_51 : memref<512xf32, #tpu.memory_space<hbm>>)
      tpu.yield
    }) : () -> ()
    return
  }
}

module attributes {stable_mosaic.version = 14 : i64} {
  func.func @_tc_reduce_body(%arg0: memref<32x512xf32, #tpu.memory_space<vmem>>, %arg1: memref<32x512xi32, #tpu.memory_space<vmem>>, %arg2: memref<1x1xf32, #tpu.memory_space<smem>>) attributes {dimension_semantics = [], scalar_prefetch = 0 : i64, scratch_operands = 0 : i64, tpu.core_type = #tpu.core_type<tc>} {
    %get3A = arith.constant 0 : index
    %get3A_0 = arith.constant 0 : index
    %get3A_1 = vector.load %arg1[%get3A, %get3A_0] : memref<32x512xi32, #tpu.memory_space<vmem>>, vector<32x512xi32>
    %get3A_2 = arith.constant 0 : index
    %get3A_3 = arith.constant 0 : index
    %get3A_4 = vector.load %arg0[%get3A_2, %get3A_3] : memref<32x512xf32, #tpu.memory_space<vmem>>, vector<32x512xf32>
    %iota3A = tpu.iota {dimensions = array<i32: 0>} : vector<32x512xi32>
    %iota3A_5 = tpu.iota {dimensions = array<i32: 1>} : vector<32x512xi32>
    %jit3A = arith.constant 4 : i32
    %eq3A = arith.constant 0 : i32
    %eq3A_6 = arith.cmpi eq, %jit3A, %eq3A : i32
    %jit3A_7 = arith.constant 1 : i32
    %select_n3A = arith.select %eq3A_6, %jit3A_7, %jit3A : i32
    %rem3A = vector.broadcast %select_n3A : i32 to vector<32x512xi32>
    %rem3A_8 = arith.remsi %iota3A, %rem3A : vector<32x512xi32>
    %ne3A = arith.constant 0 : i32
    %ne3A_9 = vector.broadcast %ne3A : i32 to vector<32x512xi32>
    %ne3A_10 = arith.cmpi ne, %rem3A_8, %ne3A_9 : vector<32x512xi32>
    %lt3A = arith.constant 0 : i32
    %lt3A_11 = vector.broadcast %lt3A : i32 to vector<32x512xi32>
    %lt3A_12 = arith.cmpi slt, %rem3A_8, %lt3A_11 : vector<32x512xi32>
    %lt3A_13 = arith.constant 0 : i32
    %lt3A_14 = arith.cmpi slt, %select_n3A, %lt3A_13 : i32
    %ne3A_15 = vector.broadcast %lt3A_14 : i1 to vector<32x512xi1>
    %ne3A_16 = vector.broadcast %ne3A_15 : vector<32x512xi1> to vector<32x512xi1>
    %ne3A_17 = arith.xori %lt3A_12, %ne3A_16 : vector<32x512xi1>
    %and3A = arith.andi %ne3A_17, %ne3A_10 : vector<32x512xi1>
    %add3A = vector.broadcast %select_n3A : i32 to vector<32x512xi32>
    %add3A_18 = arith.addi %rem3A_8, %add3A : vector<32x512xi32>
    %select_n3A_19 = arith.select %and3A, %add3A_18, %rem3A_8 : vector<32x512xi1>, vector<32x512xi32>
    %mul3A = arith.constant 512 : i32
    %mul3A_20 = vector.broadcast %mul3A : i32 to vector<32x512xi32>
    %mul3A_21 = arith.muli %select_n3A_19, %mul3A_20 : vector<32x512xi32>
    %add3A_22 = arith.addi %mul3A_21, %iota3A_5 : vector<32x512xi32>
    %ne3A_23 = arith.constant 0 : i32
    %ne3A_24 = vector.broadcast %ne3A_23 : i32 to vector<32x512xi32>
    %ne3A_25 = arith.cmpi ne, %get3A_1, %ne3A_24 : vector<32x512xi32>
    %convert_element_type3A = arith.extui %ne3A_25 : vector<32x512xi1> to vector<32x512xi32>
    %reduce_sum3A = arith.constant dense<0> : vector<32xi32>
    %reduce_sum3A_26 = vector.multi_reduction <add>, %convert_element_type3A, %reduce_sum3A [1] : vector<32x512xi32> to vector<32xi32>
    %iota3A_27 = tpu.iota {dimensions = array<i32: 0>} : vector<32x32xi32>
    %iota3A_28 = tpu.iota {dimensions = array<i32: 1>} : vector<32x32xi32>
    %jit3A_29 = arith.constant 4 : i32
    %div3A = vector.broadcast %jit3A_29 : i32 to vector<32x32xi32>
    %div3A_30 = arith.divsi %iota3A_27, %div3A : vector<32x32xi32>
    %sign3A = arith.constant 0 : i32
    %sign3A_31 = vector.broadcast %sign3A : i32 to vector<32x32xi32>
    %sign3A_32 = arith.cmpi sgt, %iota3A_27, %sign3A_31 : vector<32x32xi32>
    %sign3A_33 = arith.extui %sign3A_32 : vector<32x32xi1> to vector<32x32xi32>
    %sign3A_34 = arith.constant 0 : i32
    %sign3A_35 = vector.broadcast %sign3A_34 : i32 to vector<32x32xi32>
    %sign3A_36 = arith.cmpi slt, %iota3A_27, %sign3A_35 : vector<32x32xi32>
    %sign3A_37 = arith.extui %sign3A_36 : vector<32x32xi1> to vector<32x32xi32>
    %sign3A_38 = arith.subi %sign3A_33, %sign3A_37 : vector<32x32xi32>
    %sign3A_39 = arith.constant 0 : i32
    %sign3A_40 = arith.cmpi sgt, %jit3A_29, %sign3A_39 : i32
    %sign3A_41 = arith.extui %sign3A_40 : i1 to i32
    %sign3A_42 = arith.constant 0 : i32
    %sign3A_43 = arith.cmpi slt, %jit3A_29, %sign3A_42 : i32
    %sign3A_44 = arith.extui %sign3A_43 : i1 to i32
    %sign3A_45 = arith.subi %sign3A_41, %sign3A_44 : i32
    %ne3A_46 = vector.broadcast %sign3A_45 : i32 to vector<32x32xi32>
    %ne3A_47 = arith.cmpi ne, %sign3A_38, %ne3A_46 : vector<32x32xi32>
    %rem3A_48 = vector.broadcast %jit3A_29 : i32 to vector<32x32xi32>
    %rem3A_49 = arith.remsi %iota3A_27, %rem3A_48 : vector<32x32xi32>
    %ne3A_50 = arith.constant 0 : i32
    %ne3A_51 = vector.broadcast %ne3A_50 : i32 to vector<32x32xi32>
    %ne3A_52 = arith.cmpi ne, %rem3A_49, %ne3A_51 : vector<32x32xi32>
    %and3A_53 = arith.andi %ne3A_47, %ne3A_52 : vector<32x32xi1>
    %sub3A = arith.constant 1 : i32
    %sub3A_54 = vector.broadcast %sub3A : i32 to vector<32x32xi32>
    %sub3A_55 = arith.subi %div3A_30, %sub3A_54 : vector<32x32xi32>
    %select_n3A_56 = arith.select %and3A_53, %sub3A_55, %div3A_30 : vector<32x32xi1>, vector<32x32xi32>
    %jit3A_57 = arith.constant 4 : i32
    %div3A_58 = vector.broadcast %jit3A_57 : i32 to vector<32x32xi32>
    %div3A_59 = arith.divsi %iota3A_28, %div3A_58 : vector<32x32xi32>
    %sign3A_60 = arith.constant 0 : i32
    %sign3A_61 = vector.broadcast %sign3A_60 : i32 to vector<32x32xi32>
    %sign3A_62 = arith.cmpi sgt, %iota3A_28, %sign3A_61 : vector<32x32xi32>
    %sign3A_63 = arith.extui %sign3A_62 : vector<32x32xi1> to vector<32x32xi32>
    %sign3A_64 = arith.constant 0 : i32
    %sign3A_65 = vector.broadcast %sign3A_64 : i32 to vector<32x32xi32>
    %sign3A_66 = arith.cmpi slt, %iota3A_28, %sign3A_65 : vector<32x32xi32>
    %sign3A_67 = arith.extui %sign3A_66 : vector<32x32xi1> to vector<32x32xi32>
    %sign3A_68 = arith.subi %sign3A_63, %sign3A_67 : vector<32x32xi32>
    %sign3A_69 = arith.constant 0 : i32
    %sign3A_70 = arith.cmpi sgt, %jit3A_57, %sign3A_69 : i32
    %sign3A_71 = arith.extui %sign3A_70 : i1 to i32
    %sign3A_72 = arith.constant 0 : i32
    %sign3A_73 = arith.cmpi slt, %jit3A_57, %sign3A_72 : i32
    %sign3A_74 = arith.extui %sign3A_73 : i1 to i32
    %sign3A_75 = arith.subi %sign3A_71, %sign3A_74 : i32
    %ne3A_76 = vector.broadcast %sign3A_75 : i32 to vector<32x32xi32>
    %ne3A_77 = arith.cmpi ne, %sign3A_68, %ne3A_76 : vector<32x32xi32>
    %rem3A_78 = vector.broadcast %jit3A_57 : i32 to vector<32x32xi32>
    %rem3A_79 = arith.remsi %iota3A_28, %rem3A_78 : vector<32x32xi32>
    %ne3A_80 = arith.constant 0 : i32
    %ne3A_81 = vector.broadcast %ne3A_80 : i32 to vector<32x32xi32>
    %ne3A_82 = arith.cmpi ne, %rem3A_79, %ne3A_81 : vector<32x32xi32>
    %and3A_83 = arith.andi %ne3A_77, %ne3A_82 : vector<32x32xi1>
    %sub3A_84 = arith.constant 1 : i32
    %sub3A_85 = vector.broadcast %sub3A_84 : i32 to vector<32x32xi32>
    %sub3A_86 = arith.subi %div3A_59, %sub3A_85 : vector<32x32xi32>
    %select_n3A_87 = arith.select %and3A_83, %sub3A_86, %div3A_59 : vector<32x32xi1>, vector<32x32xi32>
    %eq3A_88 = arith.cmpi eq, %select_n3A_56, %select_n3A_87 : vector<32x32xi32>
    %broadcast_in_dim3A = vector.shape_cast %reduce_sum3A_26 : vector<32xi32> to vector<1x32xi32>
    %jit3A_89 = arith.constant 0 : i32
    %broadcast_in_dim3A_90 = vector.shape_cast %broadcast_in_dim3A : vector<1x32xi32> to vector<1x32xi32>
    %broadcast_in_dim3A_91 = vector.broadcast %broadcast_in_dim3A_90 : vector<1x32xi32> to vector<32x32xi32>
    %broadcast_in_dim3A_92 = vector.broadcast %jit3A_89 : i32 to vector<32x32xi32>
    %select_n3A_93 = arith.select %eq3A_88, %broadcast_in_dim3A_91, %broadcast_in_dim3A_92 : vector<32x32xi1>, vector<32x32xi32>
    %reduce_sum3A_94 = arith.constant dense<0> : vector<32xi32>
    %reduce_sum3A_95 = vector.multi_reduction <add>, %select_n3A_93, %reduce_sum3A_94 [1] : vector<32x32xi32> to vector<32xi32>
    %broadcast_in_dim3A_96 = vector.shape_cast %reduce_sum3A_95 : vector<32xi32> to vector<32x1xi32>
    %lt3A_97 = vector.broadcast %broadcast_in_dim3A_96 : vector<32x1xi32> to vector<32x512xi32>
    %lt3A_98 = arith.cmpi slt, %add3A_22, %lt3A_97 : vector<32x512xi32>
    %convert_element_type3A_99 = arith.extui %lt3A_98 : vector<32x512xi1> to vector<32x512xi32>
    %reduce_sum3A_100 = vector.shape_cast %convert_element_type3A_99 : vector<32x512xi32> to vector<1x32x512xi32>
    %reduce_sum3A_101 = arith.constant dense<0> : vector<1xi32>
    %reduce_sum3A_102 = vector.multi_reduction <add>, %reduce_sum3A_100, %reduce_sum3A_101 [1, 2] : vector<1x32x512xi32> to vector<1xi32>
    %reduce_sum3A_103 = vector.shape_cast %reduce_sum3A_102 : vector<1xi32> to vector<1x1x1xi32>
    %reduce_sum3A_104 = vector.extract %reduce_sum3A_103[0, 0, 0] : i32 from vector<1x1x1xi32>
    %convert_element_type3A_105 = arith.sitofp %reduce_sum3A_104 : i32 to f32
    %broadcast_in_dim3A_106 = arith.constant 0.000000e+00 : f32
    %broadcast_in_dim3A_107 = vector.broadcast %broadcast_in_dim3A_106 : f32 to vector<32x512xf32>
    %select_n3A_108 = arith.select %lt3A_98, %get3A_4, %broadcast_in_dim3A_107 : vector<32x512xi1>, vector<32x512xf32>
    %reduce_sum3A_109 = vector.shape_cast %select_n3A_108 : vector<32x512xf32> to vector<1x32x512xf32>
    %reduce_sum3A_110 = arith.constant dense<0.000000e+00> : vector<1xf32>
    %reduce_sum3A_111 = vector.multi_reduction <add>, %reduce_sum3A_109, %reduce_sum3A_110 [1, 2] : vector<1x32x512xf32> to vector<1xf32>
    %reduce_sum3A_112 = vector.shape_cast %reduce_sum3A_111 : vector<1xf32> to vector<1x1x1xf32>
    %reduce_sum3A_113 = vector.extract %reduce_sum3A_112[0, 0, 0] : f32 from vector<1x1x1xf32>
    %neg3A = arith.constant 0.000000e+00 : f32
    %neg3A_114 = arith.subf %neg3A, %reduce_sum3A_113 : f32
    %div3A_115 = arith.divf %neg3A_114, %convert_element_type3A_105 : f32
    %swap3A = arith.constant 0 : index
    %swap3A_116 = arith.constant 0 : index
    %swap3A_117 = memref.load %arg2[%swap3A, %swap3A_116] : memref<1x1xf32, #tpu.memory_space<smem>>
    memref.store %div3A_115, %arg2[%swap3A, %swap3A_116] : memref<1x1xf32, #tpu.memory_space<smem>>
    return
  }
}

</mosaic_0001>

<sc_bundles>
// kernel: kernel.4.cloned.1.call-start
scs
__scs_entry_jumppad:
0x0: {  	(pc) =	sbr.rel $0x88, $3  }
0x1: {  	(tag) =	ssettag $0x0;
	lr =	simm.s32 $0x1  }
0x2: {  	[smem:$0x3F9F] =	sst lr;
	_ =	strace $0xD0000000  }
0x3: {  	_ = 	snop  }
0x4: {  	_ = 	snop  }
0x5: {  	_ = 	snop  }
0x6: {  	_ = 	snop  }
0x7: {  	_ = 	snop  }
__scs_overlays_trampoline_lowered:
0x8: {  	[smem:$0x3FAE] =	sst s0  }
0x9: {  	[smem:$0x3FAF] =	sst s1  }
0xa: {  	[smem:$0x3FB0] =	sst s2  }
0xb: {  	[smem:$0x3FB1] =	sst s3  }
0xc: {  	[smem:$0x3FB2] =	sst s4  }
0xd: {  	[smem:$0x3FB3] =	sst s5  }
0xe: {  	[smem:$0x3FB4] =	sst s6  }
0xf: {  	[smem:$0x3FB5] =	sst s7  }
0x10: {  	[smem:$0x3FB6] =	sst s8  }
0x11: {  	[smem:$0x3FB7] =	sst s9;
	s0 =	simm.s32 @!p0 $0x0  }
0x12: {  	s1 =	sld [smem:$0x3F9D];
	s0 =	simm.s32 @p0 $0x1  }
0x13: {  	[smem:$0x3FB8] =	sst s0;
	s0 =	simm.s32 @!p1 $0x0  }
0x14: {  	s2 =	sld [smem:$0x3F9C];
	s0 =	simm.s32 @p1 $0x1  }
0x15: {  	[smem:$0x3FB9] =	sst s0;
	s0 =	simm.s32 @!p2 $0x0  }
0x16: {  	s3 =	sld [smem:$0x3FDB];
	s0 =	simm.s32 @p2 $0x1  }
0x17: {  	s4 =	simm.s32 $0x1BF5;
	[smem:$0x3FBB] =	sst s0  }
0x18: {  	s0 =	sld [smem:$0x3F9E];
	_ =	swait.ge [sflag:s4], $0x0  }
0x19: {  	s7 =	sld [smem:$0x3F9F]  }
0x1a: {  	s8 =	sadd.s32 $0xFFFFE003, lr  }
0x1b: {  	s9 =	sadd.s32 $0xFFFFFEF7, lr;
	s5 =	simm.s32 $0xFFFFFFFF;
	p2 =	slt.u32 s8, $0xFFFFF086  }
0x1c: {  	p1 =	slt.u32 s9, $0xF7A;
	s5 =	simm.s32 @!p2 $0x0  }
0x1d: {  	s5 =	simm.s32 @p1 $0x1;
	p0 =	seq.s32 s7, s2  }
0x1e: {  	s7 =	smul.u32 @!p0 $0xF7A, s2;
	p2 =	seq.s32 @!p0 s5, $0x0  }
0x1f: {  	s9 =	smul.u32 $0xF7A, s1;
	s8 =	simm.s32 @!p0 $0x1BF5;
	p2 =	por !p2, p0  }
0x20: {  	[sflag:s8] =	ssyncset.s32 @!p0 $0xFFFFF086;
	s6 =	sadd.s32 @!p0 s3, s7;
	s7 =	simm.s32 @!p0 $0x108  }
0x21: {  	s3 =	sadd.s32 s3, s9;
	s6 =	sadd.s32 @!p0 $0x88, s6;
	s7 =	simm.s32 @p2 $0x1082  }
0x22: {  	[simem:s7], [sflag:s8] =	dma.local @!p0 [hbm:s6], $0xF7A  }
0x23: {  	s9 =	sor.u32 $0xD0000000, s2;
	s6 =	simm.s32 $0x108;
	_ =	swait.ge @!p0 [sflag:s8], $0x0  }
0x24: {  	s3 =	sadd.s32 $0x88, s3;
	s6 =	simm.s32 @!p1 $0x1082;
	[sflag:s4] =	ssyncset.s32 $0xFFFFF086  }
0x25: {  	[simem:s6], [sflag:s4] =	dma.local [hbm:s3], $0xF7A  }
0x26: {  	[smem:$0x3F9F] =	sst s1;
	(tag) =	ssettag s2;
	_ =	strace s9  }
0x27: {  	s1 =	sld [smem:$0x3FAF]  }
0x28: {  	s2 =	sld [smem:$0x3FB0]  }
0x29: {  	s4 =	sld [smem:$0x3FB2]  }
0x2a: {  	p0 =	seq.s32 s5, $0x0;
	s5 =	sld [smem:$0x3FB3]  }
0x2b: {  	s6 =	sld [smem:$0x3FB4]  }
0x2c: {  	s7 =	sld [smem:$0x3FB5]  }
0x2d: {  	s3 =	simm.s32 $0x108;
	s8 =	sld [smem:$0x3FB6]  }
0x2e: {  	s3 =	simm.s32 @!p0 $0x1082;
	s9 =	sld [smem:$0x3FB7]  }
0x2f: {  	lr =	sadd.s32 s0, s3;
	s0 =	sld [smem:$0x3FAE]  }
0x30: {  	s3 =	sld [smem:$0x3FB1]  }
0x31: {  	[smem:$0x3FBA] =	sst s10  }
0x32: {  	s10 =	sld [smem:$0x3FB8];
	_ =	sdelay $0x3  }
0x33: {  	p0 =	seq.s32 s10, $0x1;
	s10 =	sld [smem:$0x3FBA];
	_ =	sdelay $0x3  }
0x34: {  	[smem:$0x3FBA] =	sst s10  }
0x35: {  	s10 =	sld [smem:$0x3FB9];
	_ =	sdelay $0x3  }
0x36: {  	p1 =	seq.s32 s10, $0x1;
	s10 =	sld [smem:$0x3FBA];
	_ =	sdelay $0x3  }
0x37: {  	[smem:$0x3FBA] =	sst s10  }
0x38: {  	s10 =	sld [smem:$0x3FBB]  }
0x39: {  	_ = 	snop;
	(pc) =	sbr.ind lr, $3  }
0x3a: {  	_ = 	snop  }
0x3b: {  	_ = 	snop  }
0x3c: {  	p2 =	seq.s32 s10, $0x1;
	s10 =	sld [smem:$0x3FBA]  }
0x3d: {  	_ =	shalt  }
0x3e: {  	_ =	shalt  }
0x3f: {  	_ =	shalt  }
0x40: {  	_ =	shalt  }
0x41: {  	_ =	shalt  }
0x42: {  	_ =	shalt  }
0x43: {  	_ =	shalt  }
0x44: {  	_ =	shalt  }
0x45: {  	_ =	shalt  }
0x46: {  	_ =	shalt  }
0x47: {  	_ =	shalt  }
0x48: {  	_ =	shalt  }
0x49: {  	_ =	shalt  }
0x4a: {  	_ =	shalt  }
0x4b: {  	_ =	shalt  }
0x4c: {  	_ =	shalt  }
0x4d: {  	_ =	shalt  }
0x4e: {  	_ =	shalt  }
0x4f: {  	_ =	shalt  }
0x50: {  	_ =	shalt  }
0x51: {  	_ =	shalt  }
0x52: {  	_ =	shalt  }
0x53: {  	_ =	shalt  }
0x54: {  	_ =	shalt  }
0x55: {  	_ =	shalt  }
0x56: {  	_ =	shalt  }
0x57: {  	_ =	shalt  }
0x58: {  	_ =	shalt  }
0x59: {  	_ =	shalt  }
0x5a: {  	_ =	shalt  }
0x5b: {  	_ =	shalt  }
0x5c: {  	_ =	shalt  }
0x5d: {  	_ =	shalt  }
0x5e: {  	_ =	shalt  }
0x5f: {  	_ =	shalt  }
0x60: {  	_ =	shalt  }
0x61: {  	_ =	shalt  }
0x62: {  	_ =	shalt  }
0x63: {  	_ =	shalt  }
0x64: {  	_ =	shalt  }
0x65: {  	_ =	shalt  }
0x66: {  	_ =	shalt  }
0x67: {  	_ =	shalt  }
0x68: {  	_ =	shalt  }
0x69: {  	_ =	shalt  }
0x6a: {  	_ =	shalt  }
0x6b: {  	_ =	shalt  }
0x6c: {  	_ =	shalt  }
0x6d: {  	_ =	shalt  }
0x6e: {  	_ =	shalt  }
0x6f: {  	_ =	shalt  }
0x70: {  	_ =	shalt  }
0x71: {  	_ =	shalt  }
0x72: {  	_ =	shalt  }
0x73: {  	_ =	shalt  }
0x74: {  	_ =	shalt  }
0x75: {  	_ =	shalt  }
0x76: {  	_ =	shalt  }
0x77: {  	_ =	shalt  }
0x78: {  	_ =	shalt  }
0x79: {  	_ =	shalt  }
0x7a: {  	_ =	shalt  }
0x7b: {  	_ =	shalt  }
0x7c: {  	_ =	shalt  }
0x7d: {  	_ =	shalt  }
0x7e: {  	_ =	shalt  }
0x7f: {  	_ =	shalt  }
0x80: {  	_ =	shalt  }
0x81: {  	_ =	shalt  }
0x82: {  	_ =	shalt  }
0x83: {  	_ =	shalt  }
0x84: {  	_ =	shalt  }
0x85: {  	_ =	shalt  }
0x86: {  	_ =	shalt  }
0x87: {  	_ =	shalt  }
.Lfunc_end0:
.L_simem_size_0:
called_computation_lowered:
.L_overlay_start_0:
0x88: {  	s2 =	sld [smem:$0x3FD9]  }
0x89: {  	s3 =	sld [smem:$0x3FFE];
	_ =	sdelay $0x1  }
0x8a: {  	s1 =	srdreg.scid  }
0x8b: {  	s0 =	sand.u32 $0x1, s1  }
0x8c: {  	s17 =	sshll.u32 s0, $0xA;
	s2 =	sadd.s32 s3, s2  }
0x8d: {  	s2 =	sadd.s32 s2, s17  }
0x8e: {  	[smem:$0x3FC6] =	sst s2  }
0x8f: {  	_ = 	snop  }
0x90: {  	s2 =	sld [smem:$0x3FC9]  }
0x91: {  	s18 =	sld [smem:$0x3FC8];
	(tm) =	ssettm $0x1  }
0x92: {  	s4 =	sld [smem:$0x3FFB];
	_ =	sdelay $0x3  }
0x93: {  	_ =	strace s4  }
0x94: {  	s4 =	sld [smem:$0x3FFC];
	_ =	sdelay $0x3  }
0x95: {  	_ =	strace s4  }
0x96: {  	s4 =	sld [smem:$0x3FFD];
	_ =	sdelay $0x3  }
0x97: {  	_ =	strace s4  }
0x98: {  	_ =	strace $0x8FFFFFFF  }
0x99: {  	s19 =	sld [smem:$0x3FDB];
	_ =	sdelay $0x1  }
0x9a: {  	s5 =	simm.s32 $_scs_section_size  }
0x9b: {  	s6 =	simm.s32 $_size__tile_overlayer_lowered;
	s7 =	simm.s32 $_tile_overlayer_lowered  }
0x9c: {  	s22 =	simm.s32 $0x1BFF;
	s21 =	sshll.u32 s7, $0x1;
	s4 =	sadd.s32 s5, s19  }
0x9d: {  	s8 =	simm.s32 $0x0;
	s20 =	sshll.u32 s6, $0x1;
	s6 =	sadd.s32 s21, s4  }
0x9e: {  	[timem:s8], [sflag:s22] =	dma.local [hbm:s6], s20  }
0x9f: {  	_ =	swait.ge [sflag:s22], s20  }
0xa0: {  	s5 =	ssub.s32 $0x0, s20;
	[sflag:s22] =	ssyncset.done $0x0  }
0xa1: {  	[sflag:s22] =	ssyncadd.s32 s5;
	_ =	sdelay $0x1  }
0xa2: {  	s23 =	simm.s32 $0x1B8B  }
0xa3: {  	_ =	swait.ge [sflag:s23], $0x1  }
0xa4: {  	[sflag:s23] =	ssyncset.done $0x0  }
0xa5: {  	s25 =	simm.s32 $0x1B8E;
	s24 =	sld [smem:$0x3FFE];
	[sflag:s23] =	ssyncadd.s32 $0xFFFFFFFF  }
0xa6: {  	s26 =	simm.s32 $execute0_lowered;
	[smem:$0x3FD2] =	sst s25  }
0xa7: {  	s6 =	sshll.u32 s26, $0x1;
	_ =	strace $0x80000046;
	[dreg:$0x1] =	wrdreg $0xFFFFFFFF  }
0xa8: {  	s28 =	simm.s32 $_size_execute0_lowered;
	s4 =	sadd.s32 s4, s6;
	[dreg:$0x0] =	wrdreg $0x0  }
0xa9: {  	s6 =	sshll.u32 s28, $0x1;
	[dreg:$0x2] =	wrdreg s4  }
0xaa: {  	[dreg:$0x3] =	wrdreg s6  }
0xab: {  	[dreg:$0x4] =	wrdreg $0xC0  }
0xac: {  	_ =	task [dreg:s8], $0x5FFFF  }
0xad: {  	[dreg:$0x1] =	wrdreg $0xFFFFFFFF  }
0xae: {  	[dreg:$0x0] =	wrdreg $0x60  }
0xaf: {  	[dreg:$0x2] =	wrdreg s2  }
0xb0: {  	[dreg:$0x3] =	wrdreg s18  }
0xb1: {  	[dreg:$0x4] =	wrdreg s24  }
0xb2: {  	[dreg:$0x5] =	wrdreg $0x9  }
0xb3: {  	_ =	task.clear_ibuf [dreg:s8], $0x6FFFF;
	_ =	strace $0x90000046  }
0xb4: {  	s29 =	simm.s32 $0x9;
	_ =	strace $0x80000048  }
0xb5: {  	_ =	swait.ge [sflag:s29], $0x1  }
0xb6: {  	[sflag:s29] =	ssyncadd.s32 $0xFFFFFFFF  }
0xb7: {  	_ =	strace $0x90000048  }
0xb8: {  	_ =	sfence  }
0xb9: {  	s30 =	sld [smem:$0x0];
	_ =	sdelay $0x2  }
0xba: {  	s31 =	sshll.u32 s1, $0xD;
	s1 =	sshrl.u32 s1, $0x2  }
0xbb: {  	s3 =	sand.u32 $0x4000, s31;
	s1 =	sadd.s32 s1, s30  }
0xbc: {  	s0 =	sor.u32 s3, s0;
	s1 =	sshll.u32 s1, $0x11  }
0xbd: {  	s0 =	sor.u32 s1, s0  }
0xbe: {  	s0 =	sadd.s32 $0x8F2B, s0  }
0xbf: {  	[sflag:s0] =	ssyncadd.remote.s32 $0x1  }
0xc0: {  	_ =	sfence.sel $0xFFFF  }
0xc1: {  	[dreg:$0x0] =	wrdreg $0xFFFFFFFF;
	(pc) =	sbr.abs _section_cstart, $3  }
0xc2: {  	[dreg:$0x1] =	wrdreg $0xFFFFFFFF  }
0xc3: {  	_ =	task.clear_ibuf [dreg:s8], $0x2FFFF;
	_ =	strace $0x9FFFFFFF  }
0xc4: {  	(tm) =	ssettm $0x7FFFFFFF  }
0xc5: {  	_ =	shalt  }
tec
execute0_lowered:
.L_overlay_start_1:
0x0: {  	(tag) =	ssettag $0x1  }
0x1: {  	s1 =	rddreg [dreg:$0x0]  }
0x2: {  	s6 =	rddreg [dreg:$0x1];
	s0 =	srdreg.scid  }
0x3: {  	s4 =	rddreg [dreg:$0x2];
	s2 =	stileid.u32  }
0x4: {  	v0 =	vimm.s32 $0x3F80;
	vm0 =	vcmask $0x300;
	v1 =	vimm.s32 $0x7F80;
	s3 =	simm.s32 $0x0;
	s10 =	simm.s32 $0x1;
	s13 =	simm.s32 $0x280  }
0x5: {  	vm1 =	vcmask $0x704;
	s14 =	simm.s32 $0x2;
	s15 =	simm.s32 $0x8280;
	s16 =	simm.s32 $0x10280;
	v0 =	vsel vm0, $0x0, v0;
	v1 =	vsel vm0, $0x4000, v1  }
0x6: {  	vm15 =	vcmask $0xB08;
	s17 =	simm.s32 $0x0;
	s5 =	sand.u32 $0x1, s0;
	s0 =	rddreg [dreg:$0x3];
	v0 =	vsel vm1, $0x480, v0;
	v1 =	vsel vm1, $0x4480, v1  }
0x7: {  	vm4 =	vcmask $0xF0C;
	s8 =	sand.u32 $0x3, s2;
	[smem:$0x7FF] =	sst s3;
	s7 =	sshll.u32 s5, $0x4;
	v0 =	vsel vm15, $0x900, v0;
	v1 =	vsel vm15, $0x4900, v1  }
0x8: {  	vm5 =	vcmask $0x1310;
	s9 =	sshll.u32 s2, $0x4;
	p1 =	sne.s32 s8, $0x0;
	s7 =	sor.u32 s2, s7;
	v0 =	vsel vm4, $0xD80, v0;
	v1 =	vsel vm4, $0x4D80, v1  }
0x9: {  	vm6 =	vcmask $0x1714;
	_ =	strace $0x80000047;
	s5 =	ssub.s32 $0x2, s5;
	p0 =	seq.s32 s7, $0x0;
	v0 =	vsel vm5, $0x1200, v0;
	v1 =	vsel vm5, $0x5200, v1  }
0xa: {  	vm7 =	vcmask $0x1B18;
	s9 =	sand.u32 $0x70, s9;
	s29 =	sshll.u32 s8, $0xC;
	p0 =	por !p1, !p0;
	v0 =	vsel vm6, $0x1680, v0;
	v1 =	vsel vm6, $0x5680, v1  }
0xb: {  	vm8 =	vcmask $0x1F1C;
	s12 =	sshrl.u32 s5, $0x1;
	s9 =	sadd.s32 s9, s4;
	p0 =	por !p0, !p0;
	v0 =	vsel vm7, $0x1B00, v0;
	v1 =	vsel vm7, $0x5B00, v1  }
0xc: {  	vm9 =	vcmask $0x2320;
	s11 =	sshrl.u32 s7, $0x2;
	s7 =	sshll.u32 s7, $0x6;
	s10 =	simm.s32 @!p0 $0x0;
	v0 =	vsel vm8, $0x1F80, v0;
	v1 =	vsel vm8, $0x5F80, v1  }
0xd: {  	vm10 =	vcmask $0x2724;
	s26 =	ssub.s32 s5, s12;
	s7 =	sand.u32 $0x600, s7;
	s10 =	ssub.s32 s11, s10;
	v0 =	vsel vm9, $0x2000, v0;
	v1 =	vsel vm9, $0x6000, v1  }
0xe: {  	vm11 =	vcmask $0x2B28;
	s9 =	sadd.s32 s7, s9;
	s11 =	simm.s32 $0x400;
	s28 =	sshll.u32 s10, $0xB;
	v0 =	vsel vm10, $0x2480, v0;
	v1 =	vsel vm10, $0x6480, v1  }
.Ltmp0:
0xf: {  	vm12 =	vcmask $0x2F2C;
	s30 =	sshll.u32 s10, $0x7;
	s4 =	sand.u32 $0xFFFFC000, s28;
	v0 =	vsel vm11, $0x2900, v0;
	v1 =	vsel vm11, $0x6900, v1;
	(pc) =	sbr.rel .LBB2_1-.Ltmp0, $4  }
0x10: {  	vm13 =	vcmask $0x3330;
	s7 =	sshll.u32 s10, $0x18;
	s12 =	sand.u32 $0x380, s30;
	s5 =	sor.u32 s29, s4;
	v0 =	vsel vm12, $0x2D80, v0;
	v1 =	vsel vm12, $0x6D80, v1  }
0x11: {  	vm14 =	vcmask $0x3734;
	s10 =	simm.s32 $0x80;
	s4 =	simm.s32 $0x1;
	s12 =	sor.u32 s12, s5;
	v0 =	vsel vm13, $0x3200, v0;
	v1 =	vsel vm13, $0x7200, v1  }
0x12: {  	vm15 =	vcmask $0x3B38;
	s5 =	sshll.u32 s8, $0x9;
	s8 =	sadd.s32 $0x800, s9;
	s31 =	sshrl.u32 s12, $0x3;
	v0 =	vsel vm14, $0x3680, v0;
	v1 =	vsel vm14, $0x7680, v1  }
0x13: {  	s9 =	smax.u32 s26, $0x1;
	s12 =	simm.s32 $0x3;
	s6 =	sadd.s32 s6, s31;
	v0 =	vsel vm15, $0x3B00, v0;
	v1 =	vsel vm15, $0x7B00, v1  }
.LBB2_14:
0x14: {  	s17 =	sadd.s32 $0x1, s17  }
0x15: {  	p0 =	sne.s32 s17, s9  }
.Ltmp1:
0x16: {  	_ = 	snop;
	(pc) =	sbr.rel @!p0 .LBB2_15-.Ltmp1, $4  }
0x17: {  	[hbm4b:s8+s10] =	stream.strided.scatter [tilespmem:s16], [sflag:$0x3], $0x200, s11, s10, $0x38;
	[tilespmem:$0x10480] =	vst v63  }
0x18: {  	_ =	swait.ge [sflag:s12], $0x200  }
0x19: {  	[sflag:s12] =	ssyncset.done $0x0  }
0x1a: {  	[sflag:s12] =	ssyncadd.s32 $0xFFFFFE00  }
.LBB2_1:
0x1b: {  	[tilespmem:s3], [sflag:$0x3] =	stream.strided.gather [hbm4b:s6+s10], $0x200, s11, s10, $0x38;
	[tilespmem:$0x10480] =	vst v63  }
0x1c: {  	_ =	swait.ge [sflag:s12], $0x200  }
0x1d: {  	[sflag:s12] =	ssyncset.done $0x0  }
0x1e: {  	[sflag:s12] =	ssyncadd.s32 $0xFFFFFE00  }
0x1f: {  	v2 =	vld [tilespmem:s3+$0x0];
	_ =	sdelay $0x4  }
0x20: {  	(v2sf) =	vpush v2, $0x0;
	_ =	sdelay $0xd  }
0x21: {  	s18 =	sand.u32 $0x18, s3  }
0x22: {  	s18 =	sor.u32 s5, s18;
	s19 =	spop (v2sf)  }
0x23: {  	s18 =	sshll.u32 s18, $0xD;
	s19 =	sshll.u32 s19, $0x3  }
0x24: {  	s18 =	sor.u32 s7, s18;
	s19 =	sand.u32 $0x7FFFFC00, s19  }
0x25: {  	s18 =	sadd.s32 s19, s18  }
0x26: {  	s18 =	sshrl.u32 s18, $0x3  }
0x27: {  	s20 =	simm.s32 $0x1;
	s18 =	sadd.s32 s1, s18  }
0x28: {  	[tilespmem:s13], [sflag:$0x1] =	stream.linear.gather [hbm4b:s18+s3], $0x400, $0x38;
	[tilespmem:$0x10480] =	vst v63  }
0x29: {  	s21 =	simm.s32 $0x2;
	s22 =	simm.s32 $0x1;
	s19 =	simm.s32 $0x280;
	v2 =	vld [tilespmem:s20+$0x0]  }
.LBB2_2:
0x2a: {  	p0 =	sne.s32 s21, $0x1F;
	_ =	sdelay $0x3  }
0x2b: {  	(v2sf) =	vpush v2, $0x0;
	_ =	sdelay $0xd  }
0x2c: {  	s18 =	sand.u32 $0x18, s20;
	s20 =	smov.u32 s21  }
0x2d: {  	s18 =	sor.u32 s5, s18;
	s23 =	spop (v2sf)  }
0x2e: {  	s18 =	sshll.u32 s18, $0xD;
	s23 =	sshll.u32 s23, $0x3  }
0x2f: {  	s18 =	sor.u32 s7, s18;
	s23 =	sand.u32 $0x7FFFFC00, s23  }
.Ltmp2:
0x30: {  	s18 =	sadd.s32 s23, s18;
	(pc) =	sbr.rel @p0 .LBB2_2-.Ltmp2, $4  }
0x31: {  	s19 =	sadd.s32 $0x400, s19;
	s18 =	sshrl.u32 s18, $0x3  }
0x32: {  	s22 =	sadd.s32 $0x1, s22;
	s23 =	sadd.s32 s1, s18;
	s18 =	simm.s32 $0x0  }
0x33: {  	[tilespmem:s19], [sflag:$0x1] =	stream.linear.gather [hbm4b:s23+s18], $0x400, $0x38;
	[tilespmem:$0x10480] =	vst v63  }
0x34: {  	s21 =	sadd.s32 $0x1, s21;
	v2 =	vld [tilespmem:s22+$0x0]  }
0x35: {  	_ =	sdelay $0x3  }
0x36: {  	(v2sf) =	vpush v2, $0x0;
	_ =	sdelay $0xd  }
0x37: {  	s20 =	sand.u32 $0x18, s20  }
0x38: {  	s20 =	sor.u32 s5, s20;
	s21 =	spop (v2sf)  }
0x39: {  	s20 =	sshll.u32 s20, $0xD;
	s21 =	sshll.u32 s21, $0x3  }
0x3a: {  	s20 =	sor.u32 s7, s20;
	s21 =	sand.u32 $0x7FFFFC00, s21  }
.Ltmp3:
0x3b: {  	s20 =	sadd.s32 s21, s20;
	(pc) =	sbr.rel .LBB2_4-.Ltmp3, $4  }
0x3c: {  	s20 =	sshrl.u32 s20, $0x3  }
0x3d: {  	s19 =	sadd.s32 $0x400, s19;
	s20 =	sadd.s32 s1, s20  }
0x3e: {  	[tilespmem:s19], [sflag:$0x1] =	stream.linear.gather [hbm4b:s20+s18], $0x400, $0x38;
	[tilespmem:$0x10480] =	vst v63  }
0x3f: {  	s21 =	simm.s32 $0x0;
	s19 =	simm.s32 $0x20;
	s20 =	simm.s32 $0x40  }
.LBB2_13:
0x40: {  	_ =	swait.ge [sflag:s14], $0x400  }
0x41: {  	[sflag:s14] =	ssyncset.done $0x0  }
0x42: {  	[sflag:s14] =	ssyncadd.s32 $0xFFFFFC00  }
0x43: {  	_ =	swait.ge [sflag:s14], $0x400  }
0x44: {  	[sflag:s14] =	ssyncset.done $0x0  }
0x45: {  	[sflag:s14] =	ssyncadd.s32 $0xFFFFFC00  }
0x46: {  	_ =	swait.ge [sflag:s14], $0x400  }
0x47: {  	[sflag:s14] =	ssyncset.done $0x0  }
0x48: {  	[sflag:s14] =	ssyncadd.s32 $0xFFFFFC00  }
0x49: {  	_ =	swait.ge [sflag:s14], $0x400  }
0x4a: {  	[sflag:s14] =	ssyncset.done $0x0  }
0x4b: {  	[sflag:s14] =	ssyncadd.s32 $0xFFFFFC00  }
0x4c: {  	_ =	swait.ge [sflag:s14], $0x400  }
0x4d: {  	[sflag:s14] =	ssyncset.done $0x0  }
0x4e: {  	[sflag:s14] =	ssyncadd.s32 $0xFFFFFC00  }
0x4f: {  	_ =	swait.ge [sflag:s14], $0x400  }
0x50: {  	[sflag:s14] =	ssyncset.done $0x0  }
0x51: {  	[sflag:s14] =	ssyncadd.s32 $0xFFFFFC00  }
0x52: {  	_ =	swait.ge [sflag:s14], $0x400  }
0x53: {  	[sflag:s14] =	ssyncset.done $0x0  }
0x54: {  	[sflag:s14] =	ssyncadd.s32 $0xFFFFFC00  }
0x55: {  	_ =	swait.ge [sflag:s14], $0x400  }
0x56: {  	[sflag:s14] =	ssyncset.done $0x0  }
0x57: {  	[sflag:s14] =	ssyncadd.s32 $0xFFFFFC00  }
0x58: {  	_ =	swait.ge [sflag:s14], $0x400  }
0x59: {  	[sflag:s14] =	ssyncset.done $0x0  }
0x5a: {  	[sflag:s14] =	ssyncadd.s32 $0xFFFFFC00  }
0x5b: {  	_ =	swait.ge [sflag:s14], $0x400  }
0x5c: {  	[sflag:s14] =	ssyncset.done $0x0  }
0x5d: {  	[sflag:s14] =	ssyncadd.s32 $0xFFFFFC00  }
0x5e: {  	_ =	swait.ge [sflag:s14], $0x400  }
0x5f: {  	[sflag:s14] =	ssyncset.done $0x0  }
0x60: {  	[sflag:s14] =	ssyncadd.s32 $0xFFFFFC00  }
0x61: {  	_ =	swait.ge [sflag:s14], $0x400  }
0x62: {  	[sflag:s14] =	ssyncset.done $0x0  }
0x63: {  	[sflag:s14] =	ssyncadd.s32 $0xFFFFFC00  }
0x64: {  	_ =	swait.ge [sflag:s14], $0x400  }
0x65: {  	[sflag:s14] =	ssyncset.done $0x0  }
0x66: {  	[sflag:s14] =	ssyncadd.s32 $0xFFFFFC00  }
0x67: {  	_ =	swait.ge [sflag:s14], $0x400  }
0x68: {  	[sflag:s14] =	ssyncset.done $0x0  }
0x69: {  	[sflag:s14] =	ssyncadd.s32 $0xFFFFFC00  }
0x6a: {  	_ =	swait.ge [sflag:s14], $0x400  }
0x6b: {  	[sflag:s14] =	ssyncset.done $0x0  }
0x6c: {  	[sflag:s14] =	ssyncadd.s32 $0xFFFFFC00  }
0x6d: {  	_ =	swait.ge [sflag:s14], $0x400  }
0x6e: {  	[sflag:s14] =	ssyncset.done $0x0  }
0x6f: {  	[sflag:s14] =	ssyncadd.s32 $0xFFFFFC00  }
0x70: {  	_ =	swait.ge [sflag:s14], $0x400  }
0x71: {  	[sflag:s14] =	ssyncset.done $0x0  }
0x72: {  	[sflag:s14] =	ssyncadd.s32 $0xFFFFFC00  }
0x73: {  	_ =	swait.ge [sflag:s14], $0x400  }
0x74: {  	[sflag:s14] =	ssyncset.done $0x0  }
0x75: {  	[sflag:s14] =	ssyncadd.s32 $0xFFFFFC00  }
0x76: {  	_ =	swait.ge [sflag:s14], $0x400  }
0x77: {  	[sflag:s14] =	ssyncset.done $0x0  }
0x78: {  	[sflag:s14] =	ssyncadd.s32 $0xFFFFFC00  }
0x79: {  	_ =	swait.ge [sflag:s14], $0x400  }
0x7a: {  	[sflag:s14] =	ssyncset.done $0x0  }
0x7b: {  	[sflag:s14] =	ssyncadd.s32 $0xFFFFFC00  }
0x7c: {  	_ =	swait.ge [sflag:s14], $0x400  }
0x7d: {  	[sflag:s14] =	ssyncset.done $0x0  }
0x7e: {  	[sflag:s14] =	ssyncadd.s32 $0xFFFFFC00  }
0x7f: {  	_ =	swait.ge [sflag:s14], $0x400  }
0x80: {  	[sflag:s14] =	ssyncset.done $0x0  }
0x81: {  	[sflag:s14] =	ssyncadd.s32 $0xFFFFFC00  }
0x82: {  	_ =	swait.ge [sflag:s14], $0x400  }
0x83: {  	[sflag:s14] =	ssyncset.done $0x0  }
0x84: {  	[sflag:s14] =	ssyncadd.s32 $0xFFFFFC00  }
0x85: {  	_ =	swait.ge [sflag:s14], $0x400  }
0x86: {  	[sflag:s14] =	ssyncset.done $0x0  }
0x87: {  	[sflag:s14] =	ssyncadd.s32 $0xFFFFFC00  }
0x88: {  	_ =	swait.ge [sflag:s14], $0x400  }
0x89: {  	[sflag:s14] =	ssyncset.done $0x0  }
0x8a: {  	[sflag:s14] =	ssyncadd.s32 $0xFFFFFC00  }
0x8b: {  	_ =	swait.ge [sflag:s14], $0x400  }
0x8c: {  	[sflag:s14] =	ssyncset.done $0x0  }
0x8d: {  	[sflag:s14] =	ssyncadd.s32 $0xFFFFFC00  }
0x8e: {  	_ =	swait.ge [sflag:s14], $0x400  }
0x8f: {  	[sflag:s14] =	ssyncset.done $0x0  }
0x90: {  	[sflag:s14] =	ssyncadd.s32 $0xFFFFFC00  }
0x91: {  	_ =	swait.ge [sflag:s14], $0x400  }
0x92: {  	[sflag:s14] =	ssyncset.done $0x0  }
0x93: {  	[sflag:s14] =	ssyncadd.s32 $0xFFFFFC00  }
0x94: {  	_ =	swait.ge [sflag:s14], $0x400  }
0x95: {  	[sflag:s14] =	ssyncset.done $0x0  }
0x96: {  	[sflag:s14] =	ssyncadd.s32 $0xFFFFFC00  }
0x97: {  	_ =	swait.ge [sflag:s14], $0x400  }
0x98: {  	[sflag:s14] =	ssyncset.done $0x0  }
0x99: {  	[sflag:s14] =	ssyncadd.s32 $0xFFFFFC00  }
0x9a: {  	_ =	swait.ge [sflag:s14], $0x400  }
0x9b: {  	[sflag:s14] =	ssyncset.done $0x0  }
0x9c: {  	[sflag:s14] =	ssyncadd.s32 $0xFFFFFC00  }
0x9d: {  	_ =	swait.ge [sflag:s14], $0x400  }
0x9e: {  	[sflag:s14] =	ssyncset.done $0x0  }
0x9f: {  	[sflag:s14] =	ssyncadd.s32 $0xFFFFFC00  }
0xa0: {  	v2 =	vld [tilespmem:s23+$0x0];
	_ =	sdelay $0x4  }
0xa1: {  	v2 =	vand.u32 $0x7F, v2  }
0xa2: {  	v2 =	vor.u32 v0, v2;
	_ =	sdelay $0x4  }
0xa3: {  	v2 =	vld.idx.msk [tilespmem:v2+s15+$0x0], $0xffff;
	_ =	sdelay $0x4  }
0xa4: {  	s31 =	sor.u32 $0x30, s22;
	[tilespmem:s23+$0x10280] =	vst v2  }
0xa5: {  	v2 =	vld [tilespmem:s31+$0x0];
	_ =	sdelay $0x4  }
0xa6: {  	v2 =	vand.u32 $0x7F, v2  }
0xa7: {  	v2 =	vor.u32 v1, v2;
	_ =	sdelay $0x3  }
0xa8: {  	s21 =	sadd.s32 $0x1, s21  }
0xa9: {  	p0 =	sne.s32 s21, $0x8;
	v2 =	vld.idx.msk [tilespmem:v2+s15+$0x0], $0xffff  }
.Ltmp4:
0xaa: {  	_ = 	snop;
	(pc) =	sbr.rel @!p0 .LBB2_14-.Ltmp4, $2  }
0xab: {  	_ =	sdelay $0x2  }
0xac: {  	s19 =	sadd.s32 $0x40, s19;
	s20 =	sadd.s32 $0x40, s20;
	[tilespmem:s22+$0x102B0] =	vst v2  }
.LBB2_4:
0xad: {  	p1 =	por $0x1, $0x1  }
.Ltmp5:
0xae: {  	_ = 	snop;
	(pc) =	sbr.rel @!p1 .LBB2_5-.Ltmp5, $3  }
0xaf: {  	_ =	sdelay $0x1  }
0xb0: {  	s22 =	sshll.u32 s21, $0x6;
	s24 =	simm.s32 $0x8280  }
0xb1: {  	v2 =	vld [tilespmem:s19+$0x0];
	s25 =	simm.s32 $0x1;
	p0 =	por $0x0, $0x0;
	s23 =	sor.u32 $0x20, s22  }
0xb2: {  	_ =	sdelay $0x3  }
0xb3: {  	(v2sf) =	vpush v2, $0x0;
	_ =	sdelay $0xc  }
0xb4: {  	s26 =	sand.u32 $0x18, s18  }
0xb5: {  	s26 =	sor.u32 s26, s23  }
0xb6: {  	s26 =	sadd.s32 s5, s26;
	s28 =	spop (v2sf)  }
0xb7: {  	s26 =	sshll.u32 s26, $0xD;
	s28 =	sshll.u32 s28, $0x3  }
0xb8: {  	p1 =	por $0x1, $0x1;
	s26 =	sadd.s32 s7, s26;
	s28 =	sand.u32 $0x7FFFFC00, s28  }
.Ltmp6:
0xb9: {  	s26 =	sadd.s32 s28, s26;
	(pc) =	sbr.rel @!p1 .LBB2_7-.Ltmp6, $4  }
0xba: {  	s26 =	sshrl.u32 s26, $0x3  }
0xbb: {  	s28 =	sadd.s32 $0x1, s19;
	s26 =	sadd.s32 s1, s26  }
0xbc: {  	[tilespmem:s24], [sflag:$0x2] =	stream.linear.gather [hbm4b:s26+s3], $0x400, $0x38;
	[tilespmem:$0x10480] =	vst v63  }
0xbd: {  	s29 =	simm.s32 $0x2;
	p0 =	por $0x1, $0x1;
	s26 =	simm.s32 $0x8280;
	v2 =	vld [tilespmem:s28+$0x0]  }
.LBB2_8:
0xbe: {  	p1 =	sne.s32 s29, $0x1F;
	_ =	sdelay $0x3  }
0xbf: {  	(v2sf) =	vpush v2, $0x0;
	_ =	sdelay $0xc  }
0xc0: {  	s30 =	sand.u32 $0x18, s25;
	s25 =	smov.u32 s29  }
0xc1: {  	s30 =	sor.u32 s30, s23  }
0xc2: {  	s30 =	sadd.s32 s5, s30;
	s31 =	spop (v2sf)  }
0xc3: {  	s30 =	sshll.u32 s30, $0xD;
	s31 =	sshll.u32 s31, $0x3  }
0xc4: {  	s30 =	sadd.s32 s7, s30;
	s31 =	sand.u32 $0x7FFFFC00, s31  }
.Ltmp7:
0xc5: {  	s30 =	sadd.s32 s31, s30;
	(pc) =	sbr.rel @p1 .LBB2_8-.Ltmp7, $4  }
0xc6: {  	s30 =	sshrl.u32 s30, $0x3  }
0xc7: {  	s28 =	sadd.s32 $0x1, s28;
	s26 =	sadd.s32 $0x400, s26;
	s30 =	sadd.s32 s1, s30  }
0xc8: {  	[tilespmem:s26], [sflag:$0x2] =	stream.linear.gather [hbm4b:s30+s3], $0x400, $0x38;
	[tilespmem:$0x10480] =	vst v63  }
0xc9: {  	s29 =	sadd.s32 $0x1, s29;
	v2 =	vld [tilespmem:s28+$0x0]  }
.LBB2_9:
0xca: {  	_ =	sdelay $0x3  }
0xcb: {  	(v2sf) =	vpush v2, $0x0;
	_ =	sdelay $0xc  }
0xcc: {  	s25 =	sand.u32 $0x18, s25  }
0xcd: {  	s25 =	sor.u32 s25, s23  }
0xce: {  	s25 =	sadd.s32 s5, s25;
	s28 =	spop (v2sf)  }
0xcf: {  	s25 =	sshll.u32 s25, $0xD;
	s28 =	sshll.u32 s28, $0x3  }
0xd0: {  	s25 =	sadd.s32 s7, s25;
	s28 =	sand.u32 $0x7FFFFC00, s28  }
0xd1: {  	s25 =	sadd.s32 s28, s25  }
0xd2: {  	s26 =	sadd.s32 @p0 $0x400, s26;
	s25 =	sshrl.u32 s25, $0x3  }
0xd3: {  	s24 =	smov.u32 @p0 s26;
	s25 =	sadd.s32 s1, s25  }
0xd4: {  	[tilespmem:s24], [sflag:$0x2] =	stream.linear.gather [hbm4b:s25+s3], $0x400, $0x38;
	[tilespmem:$0x10480] =	vst v63  }
0xd5: {  	_ =	swait.ge [sflag:s4], $0x400  }
0xd6: {  	[sflag:s4] =	ssyncset.done $0x0  }
0xd7: {  	[sflag:s4] =	ssyncadd.s32 $0xFFFFFC00  }
0xd8: {  	_ =	swait.ge [sflag:s4], $0x400  }
0xd9: {  	[sflag:s4] =	ssyncset.done $0x0  }
0xda: {  	[sflag:s4] =	ssyncadd.s32 $0xFFFFFC00  }
0xdb: {  	_ =	swait.ge [sflag:s4], $0x400  }
0xdc: {  	[sflag:s4] =	ssyncset.done $0x0  }
0xdd: {  	[sflag:s4] =	ssyncadd.s32 $0xFFFFFC00  }
0xde: {  	_ =	swait.ge [sflag:s4], $0x400  }
0xdf: {  	[sflag:s4] =	ssyncset.done $0x0  }
0xe0: {  	[sflag:s4] =	ssyncadd.s32 $0xFFFFFC00  }
0xe1: {  	_ =	swait.ge [sflag:s4], $0x400  }
0xe2: {  	[sflag:s4] =	ssyncset.done $0x0  }
0xe3: {  	[sflag:s4] =	ssyncadd.s32 $0xFFFFFC00  }
0xe4: {  	_ =	swait.ge [sflag:s4], $0x400  }
0xe5: {  	[sflag:s4] =	ssyncset.done $0x0  }
0xe6: {  	[sflag:s4] =	ssyncadd.s32 $0xFFFFFC00  }
0xe7: {  	_ =	swait.ge [sflag:s4], $0x400  }
0xe8: {  	[sflag:s4] =	ssyncset.done $0x0  }
0xe9: {  	[sflag:s4] =	ssyncadd.s32 $0xFFFFFC00  }
0xea: {  	_ =	swait.ge [sflag:s4], $0x400  }
0xeb: {  	[sflag:s4] =	ssyncset.done $0x0  }
0xec: {  	[sflag:s4] =	ssyncadd.s32 $0xFFFFFC00  }
0xed: {  	_ =	swait.ge [sflag:s4], $0x400  }
0xee: {  	[sflag:s4] =	ssyncset.done $0x0  }
0xef: {  	[sflag:s4] =	ssyncadd.s32 $0xFFFFFC00  }
0xf0: {  	_ =	swait.ge [sflag:s4], $0x400  }
0xf1: {  	[sflag:s4] =	ssyncset.done $0x0  }
0xf2: {  	[sflag:s4] =	ssyncadd.s32 $0xFFFFFC00  }
0xf3: {  	_ =	swait.ge [sflag:s4], $0x400  }
0xf4: {  	[sflag:s4] =	ssyncset.done $0x0  }
0xf5: {  	[sflag:s4] =	ssyncadd.s32 $0xFFFFFC00  }
0xf6: {  	_ =	swait.ge [sflag:s4], $0x400  }
0xf7: {  	[sflag:s4] =	ssyncset.done $0x0  }
0xf8: {  	[sflag:s4] =	ssyncadd.s32 $0xFFFFFC00  }
0xf9: {  	_ =	swait.ge [sflag:s4], $0x400  }
0xfa: {  	[sflag:s4] =	ssyncset.done $0x0  }
0xfb: {  	[sflag:s4] =	ssyncadd.s32 $0xFFFFFC00  }
0xfc: {  	_ =	swait.ge [sflag:s4], $0x400  }
0xfd: {  	[sflag:s4] =	ssyncset.done $0x0  }
0xfe: {  	[sflag:s4] =	ssyncadd.s32 $0xFFFFFC00  }
0xff: {  	_ =	swait.ge [sflag:s4], $0x400  }
0x100: {  	[sflag:s4] =	ssyncset.done $0x0  }
0x101: {  	[sflag:s4] =	ssyncadd.s32 $0xFFFFFC00  }
0x102: {  	_ =	swait.ge [sflag:s4], $0x400  }
0x103: {  	[sflag:s4] =	ssyncset.done $0x0  }
0x104: {  	[sflag:s4] =	ssyncadd.s32 $0xFFFFFC00  }
0x105: {  	_ =	swait.ge [sflag:s4], $0x400  }
0x106: {  	[sflag:s4] =	ssyncset.done $0x0  }
0x107: {  	[sflag:s4] =	ssyncadd.s32 $0xFFFFFC00  }
0x108: {  	_ =	swait.ge [sflag:s4], $0x400  }
0x109: {  	[sflag:s4] =	ssyncset.done $0x0  }
0x10a: {  	[sflag:s4] =	ssyncadd.s32 $0xFFFFFC00  }
0x10b: {  	_ =	swait.ge [sflag:s4], $0x400  }
0x10c: {  	[sflag:s4] =	ssyncset.done $0x0  }
0x10d: {  	[sflag:s4] =	ssyncadd.s32 $0xFFFFFC00  }
0x10e: {  	_ =	swait.ge [sflag:s4], $0x400  }
0x10f: {  	[sflag:s4] =	ssyncset.done $0x0  }
0x110: {  	[sflag:s4] =	ssyncadd.s32 $0xFFFFFC00  }
0x111: {  	_ =	swait.ge [sflag:s4], $0x400  }
0x112: {  	[sflag:s4] =	ssyncset.done $0x0  }
0x113: {  	[sflag:s4] =	ssyncadd.s32 $0xFFFFFC00  }
0x114: {  	_ =	swait.ge [sflag:s4], $0x400  }
0x115: {  	[sflag:s4] =	ssyncset.done $0x0  }
0x116: {  	[sflag:s4] =	ssyncadd.s32 $0xFFFFFC00  }
0x117: {  	_ =	swait.ge [sflag:s4], $0x400  }
0x118: {  	[sflag:s4] =	ssyncset.done $0x0  }
0x119: {  	[sflag:s4] =	ssyncadd.s32 $0xFFFFFC00  }
0x11a: {  	_ =	swait.ge [sflag:s4], $0x400  }
0x11b: {  	[sflag:s4] =	ssyncset.done $0x0  }
0x11c: {  	[sflag:s4] =	ssyncadd.s32 $0xFFFFFC00  }
0x11d: {  	_ =	swait.ge [sflag:s4], $0x400  }
0x11e: {  	[sflag:s4] =	ssyncset.done $0x0  }
0x11f: {  	[sflag:s4] =	ssyncadd.s32 $0xFFFFFC00  }
0x120: {  	_ =	swait.ge [sflag:s4], $0x400  }
0x121: {  	[sflag:s4] =	ssyncset.done $0x0  }
0x122: {  	[sflag:s4] =	ssyncadd.s32 $0xFFFFFC00  }
0x123: {  	_ =	swait.ge [sflag:s4], $0x400  }
0x124: {  	[sflag:s4] =	ssyncset.done $0x0  }
0x125: {  	[sflag:s4] =	ssyncadd.s32 $0xFFFFFC00  }
0x126: {  	_ =	swait.ge [sflag:s4], $0x400  }
0x127: {  	[sflag:s4] =	ssyncset.done $0x0  }
0x128: {  	[sflag:s4] =	ssyncadd.s32 $0xFFFFFC00  }
0x129: {  	_ =	swait.ge [sflag:s4], $0x400  }
0x12a: {  	[sflag:s4] =	ssyncset.done $0x0  }
0x12b: {  	[sflag:s4] =	ssyncadd.s32 $0xFFFFFC00  }
0x12c: {  	_ =	swait.ge [sflag:s4], $0x400  }
0x12d: {  	[sflag:s4] =	ssyncset.done $0x0  }
0x12e: {  	[sflag:s4] =	ssyncadd.s32 $0xFFFFFC00  }
0x12f: {  	_ =	swait.ge [sflag:s4], $0x400  }
0x130: {  	[sflag:s4] =	ssyncset.done $0x0  }
0x131: {  	[sflag:s4] =	ssyncadd.s32 $0xFFFFFC00  }
0x132: {  	_ =	swait.ge [sflag:s4], $0x400  }
0x133: {  	[sflag:s4] =	ssyncset.done $0x0  }
0x134: {  	[sflag:s4] =	ssyncadd.s32 $0xFFFFFC00  }
0x135: {  	v2 =	vld [tilespmem:s22+$0x0];
	_ =	sdelay $0x4  }
0x136: {  	v2 =	vand.u32 $0x7F, v2  }
0x137: {  	v2 =	vor.u32 v0, v2;
	_ =	sdelay $0x4  }
0x138: {  	v2 =	vld.idx.msk [tilespmem:v2+s13+$0x0], $0xffff;
	_ =	sdelay $0x4  }
0x139: {  	s31 =	sor.u32 $0x10, s22;
	[tilespmem:s22+$0x10280] =	vst v2  }
0x13a: {  	v2 =	vld [tilespmem:s31+$0x0];
	_ =	sdelay $0x4  }
0x13b: {  	v2 =	vand.u32 $0x7F, v2  }
0x13c: {  	v2 =	vor.u32 v1, v2;
	_ =	sdelay $0x4  }
0x13d: {  	p0 =	seq.s32 s21, $0x7;
	v2 =	vld.idx.msk [tilespmem:v2+s13+$0x0], $0xffff  }
.Ltmp8:
0x13e: {  	_ = 	snop;
	(pc) =	sbr.rel @p0 .LBB2_13-.Ltmp8, $2  }
0x13f: {  	_ =	sdelay $0x2  }
0x140: {  	[tilespmem:s22+$0x10290] =	vst v2  }
0x141: {  	v2 =	vld [tilespmem:s20+$0x0];
	_ =	sdelay $0x4  }
0x142: {  	(v2sf) =	vpush v2, $0x0;
	_ =	sdelay $0xc  }
0x143: {  	s24 =	sadd.s32 s5, s22;
	s25 =	simm.s32 $0x0  }
0x144: {  	s24 =	sadd.s32 $0x40, s24;
	s25 =	sand.u32 $0x18, s25  }
0x145: {  	s25 =	sor.u32 s24, s25;
	s26 =	spop (v2sf)  }
0x146: {  	s25 =	sshll.u32 s25, $0xD;
	s26 =	sshll.u32 s26, $0x3  }
0x147: {  	s25 =	sadd.s32 s7, s25;
	s26 =	sand.u32 $0x7FFFFC00, s26  }
0x148: {  	s25 =	sadd.s32 s26, s25  }
0x149: {  	s26 =	sshrl.u32 s25, $0x3  }
0x14a: {  	s28 =	sadd.s32 $0x1, s20;
	s25 =	simm.s32 $0x280;
	s26 =	sadd.s32 s1, s26  }
0x14b: {  	[tilespmem:s25], [sflag:$0x1] =	stream.linear.gather [hbm4b:s26+s3], $0x400, $0x38;
	[tilespmem:$0x10480] =	vst v63  }
0x14c: {  	s29 =	simm.s32 $0x2;
	s26 =	simm.s32 $0x1;
	v2 =	vld [tilespmem:s28+$0x0]  }
.LBB2_11:
0x14d: {  	p0 =	sne.s32 s29, $0x1F;
	_ =	sdelay $0x3  }
0x14e: {  	(v2sf) =	vpush v2, $0x0;
	_ =	sdelay $0xd  }
0x14f: {  	s30 =	sand.u32 $0x18, s26;
	s26 =	smov.u32 s29  }
0x150: {  	s30 =	sor.u32 s24, s30;
	s31 =	spop (v2sf)  }
0x151: {  	s30 =	sshll.u32 s30, $0xD;
	s31 =	sshll.u32 s31, $0x3  }
0x152: {  	s30 =	sadd.s32 s7, s30;
	s31 =	sand.u32 $0x7FFFFC00, s31  }
.Ltmp9:
0x153: {  	s30 =	sadd.s32 s31, s30;
	(pc) =	sbr.rel @p0 .LBB2_11-.Ltmp9, $4  }
0x154: {  	s30 =	sshrl.u32 s30, $0x3  }
0x155: {  	s28 =	sadd.s32 $0x1, s28;
	s25 =	sadd.s32 $0x400, s25;
	s30 =	sadd.s32 s1, s30  }
0x156: {  	[tilespmem:s25], [sflag:$0x1] =	stream.linear.gather [hbm4b:s30+s3], $0x400, $0x38;
	[tilespmem:$0x10480] =	vst v63  }
0x157: {  	s29 =	sadd.s32 $0x1, s29;
	v2 =	vld [tilespmem:s28+$0x0]  }
0x158: {  	_ =	sdelay $0x3  }
0x159: {  	(v2sf) =	vpush v2, $0x0;
	_ =	sdelay $0xd  }
0x15a: {  	s26 =	sand.u32 $0x18, s26  }
0x15b: {  	s24 =	sor.u32 s24, s26;
	s31 =	spop (v2sf)  }
0x15c: {  	s24 =	sshll.u32 s24, $0xD;
	s26 =	sshll.u32 s31, $0x3  }
.Ltmp10:
0x15d: {  	s24 =	sadd.s32 s7, s24;
	s26 =	sand.u32 $0x7FFFFC00, s26;
	(pc) =	sbr.rel .LBB2_13-.Ltmp10, $4  }
0x15e: {  	s24 =	sadd.s32 s26, s24  }
0x15f: {  	s24 =	sshrl.u32 s24, $0x3  }
0x160: {  	s25 =	sadd.s32 $0x400, s25;
	s24 =	sadd.s32 s1, s24  }
0x161: {  	[tilespmem:s25], [sflag:$0x1] =	stream.linear.gather [hbm4b:s24+s3], $0x400, $0x38;
	[tilespmem:$0x10480] =	vst v63  }
.LBB2_5:
.Ltmp11:
0x162: {  	(pc) =	sbr.rel .LBB2_9-.Ltmp11, $2  }
0x163: {  	_ =	sdelay $0x2  }
0x164: {  	s25 =	simm.s32 $0x0;
	s26 =	simm.s32 $0x8280  }
.LBB2_7:
.Ltmp12:
0x165: {  	(pc) =	sbr.rel .LBB2_9-.Ltmp12, $2  }
0x166: {  	_ =	sdelay $0x2  }
0x167: {  	s26 =	simm.s32 $0x8280  }
.LBB2_15:
0x168: {  	_ =	sfence.sel $0x180000  }
0x169: {  	[bflag:$0x0] =	sbarrier.arrive $0xFFFF  }
0x16a: {  	p0 =	sne.s32 s2, $0x0;
	_ =	strace $0x90000047  }
0x16b: {  	s0 =	sadd.s32 @!p0 $0x100000, s0;
	[bflag:$0x2] =	sbarrier.arrive $0xFFFF  }
0x16c: {  	[sflag:s0] =	ssyncadd.tile.s32 @!p0 $0x1;
	_ =	shalt  }
.Lfunc_end2:
_tile_overlayer_lowered:
.L_overlay_start_2:
0x16d: {  	(tag) =	ssettag $0x2  }
0x16e: {  	s0 =	rddreg [dreg:$0x0];
	s2 =	stileid.u32  }
0x16f: {  	s1 =	rddreg [dreg:$0x1];
	p0 =	sne.s32 s2, $0x0  }
0x170: {  	s3 =	rddreg [dreg:$0x2];
	[bflag:$0x3] =	sbarrier.arrive $0xFFFF;
	s2 =	simm.s32 @!p0 $0x1C03  }
0x171: {  	[timem:s3], [sflag:s2] =	dma.local @!p0 [hbm:s0], s1  }
0x172: {  	s0 =	simm.s32 @!p0 $0x3  }
0x173: {  	_ =	swait.ge @!p0 [sflag:s0], s1  }
0x174: {  	s1 =	ssub.s32 @!p0 $0x0, s1;
	[sflag:s0] =	ssyncset.done @!p0 $0x0  }
0x175: {  	[sflag:s0] =	ssyncadd.s32 @!p0 s1  }
0x176: {  	[bflag:$0x3] =	sbarrier.arrive $0xFFFF  }
0x177: {  	_ =	shalt  }

</sc_bundles>
